<compile_context>
chip_gen: v7x
topology: tpu7x:2x2x1
jax: 0.10.2.dev20260603
libtpu: 0.0.44.dev20260713+nightly
codegen_flags: <defaults>
</compile_context>

<pallas_src>
import functools

import jax
import jax.numpy as jnp
from jax import lax
from jax.experimental import pallas as pl
from jax.experimental.pallas import tpu as pltpu
from jax.experimental.pallas import tpu_sc as plsc

N = 10000
E = 320000
D = 128

NC = 2
NS = 16
NW = NC * NS
CHUNK = 128
CH_PER_W = 79
E_W = CH_PER_W * CHUNK
E_PAD = NW * E_W
N_PAD = 10112
ROWS_PER_TILE = N_PAD // NS

_mesh = plsc.VectorSubcoreMesh(core_axis_name="c", subcore_axis_name="s")


@functools.partial(
    pl.kernel,
    out_type=jax.ShapeDtypeStruct((NC, N_PAD, D), jnp.float32),
    mesh=_mesh,
    scratch_types=[
        pltpu.VMEM_SHARED((N_PAD, D), jnp.float32),
        pltpu.VMEM((CH_PER_W, CHUNK), jnp.int32),
        pltpu.VMEM((CHUNK, D), jnp.float32),
        pltpu.SemaphoreType.DMA,
    ],
)
def _deg_kernel(col_hbm, zeros_hbm, ones_hbm, deg_out, deg_sh, colbuf, ones_v, sem):
    c = lax.axis_index("c")
    s = lax.axis_index("s")
    w = s * NC + c
    r0 = s * ROWS_PER_TILE
    pltpu.sync_copy(zeros_hbm.at[pl.ds(r0, ROWS_PER_TILE)],
                    deg_sh.at[pl.ds(r0, ROWS_PER_TILE)])
    pltpu.sync_copy(ones_hbm, ones_v)
    pltpu.sync_copy(col_hbm.at[w], colbuf)
    plsc.subcore_barrier()

    def body(ch, _):
        pltpu.sync_copy(ones_v, deg_sh.at[colbuf.at[ch]], add=True)
        return _
    lax.fori_loop(0, CH_PER_W, body, None)

    plsc.subcore_barrier()
    pltpu.sync_copy(deg_sh.at[pl.ds(r0, ROWS_PER_TILE)],
                    deg_out.at[c, pl.ds(r0, ROWS_PER_TILE)])


def _prescale_body(deg_ref, x_ref, y_ref):
    d = deg_ref[0, :, 0:1] + deg_ref[1, :, 0:1] + 1.0
    y_ref[...] = lax.rsqrt(d) * x_ref[...]


def _prescale(deg, x_pad):
    return pl.pallas_call(
        _prescale_body,
        out_shape=jax.ShapeDtypeStruct((N_PAD, D), jnp.float32),
    )(deg, x_pad)


@functools.partial(
    pl.kernel,
    out_type=jax.ShapeDtypeStruct((NC, N_PAD, D), jnp.float32),
    mesh=_mesh,
    scratch_types=[
        pltpu.VMEM_SHARED((N_PAD, D), jnp.float32),
        pltpu.VMEM(((CH_PER_W + 1) // 2, CHUNK), jnp.int32),
        pltpu.VMEM(((CH_PER_W + 1) // 2, CHUNK), jnp.int32),
        pltpu.VMEM((2, CHUNK, D), jnp.float32),
        pltpu.SemaphoreType.DMA,
    ],
)
def _agg_kernel(row_hbm, col_hbm, y_hbm, zeros_hbm, acc_out,
                acc_sh, rowbuf, colbuf, rows_v, gsem):
    c = lax.axis_index("c")
    s = lax.axis_index("s")
    w = s * NC + c
    r0 = s * ROWS_PER_TILE
    half = (CH_PER_W + 1) // 2
    pltpu.sync_copy(zeros_hbm.at[pl.ds(r0, ROWS_PER_TILE)],
                    acc_sh.at[pl.ds(r0, ROWS_PER_TILE)])
    plsc.subcore_barrier()

    for h in range(2):
        nh = half if h == 0 else CH_PER_W - half
        pltpu.sync_copy(row_hbm.at[w, pl.ds(h * half, nh)],
                        rowbuf.at[pl.ds(0, nh)])
        pltpu.sync_copy(col_hbm.at[w, pl.ds(h * half, nh)],
                        colbuf.at[pl.ds(0, nh)])
        def _gather(ch, buf, fire):
            for k in range(2):
                src = y_hbm.at[rowbuf.at[ch, pl.ds(k * 64, 64)]]
                dst = rows_v.at[buf, pl.ds(k * 64, 64)]
                if fire:
                    pltpu.async_copy(src, dst, gsem)
                else:
                    pltpu.make_async_copy(src, dst, gsem).wait()

        _gather(0, 0, True)

        def body(ch, _):
            cur = lax.rem(ch, 2)
            _gather(ch, cur, False)

            @pl.when(ch < nh - 1)
            def _start_next():
                _gather(ch + 1, 1 - cur, True)

            pltpu.sync_copy(rows_v.at[cur], acc_sh.at[colbuf.at[ch]], add=True)
            return _

        lax.fori_loop(0, nh, body, None)

    plsc.subcore_barrier()
    pltpu.sync_copy(acc_sh.at[pl.ds(r0, ROWS_PER_TILE)],
                    acc_out.at[c, pl.ds(r0, ROWS_PER_TILE)])


def _final_body(deg_ref, acc_ref, x_ref, w_ref, b_ref, o_ref):
    d = deg_ref[0, :, 0:1] + deg_ref[1, :, 0:1] + 1.0
    dinv = lax.rsqrt(d)
    pre = dinv * (acc_ref[0] + acc_ref[1] + dinv * x_ref[...])
    o_ref[...] = lax.dot_general(
        pre, w_ref[...], (((1,), (1,)), ((), ())),
        preferred_element_type=jnp.float32) + b_ref[...]


def _final(deg, acc, x, W, b2):
    blk = 1000
    return pl.pallas_call(
        _final_body,
        grid=(N // blk,),
        in_specs=[
            pl.BlockSpec((NC, blk, D), lambda i: (0, i, 0)),
            pl.BlockSpec((NC, blk, D), lambda i: (0, i, 0)),
            pl.BlockSpec((blk, D), lambda i: (i, 0)),
            pl.BlockSpec((D, D), lambda i: (0, 0)),
            pl.BlockSpec((1, D), lambda i: (0, 0)),
        ],
        out_specs=pl.BlockSpec((blk, D), lambda i: (i, 0)),
        out_shape=jax.ShapeDtypeStruct((N, D), jnp.float32),
    )(deg, acc, x, W, b2)


@jax.jit
def kernel(x, edge_index, W, b):
    row = edge_index[0]
    col = edge_index[1]
    pad = N + (jnp.arange(E_PAD - E, dtype=jnp.int32) % (N_PAD - N))
    row_p = jnp.concatenate([row, pad]).reshape(NW, CH_PER_W, CHUNK)
    col_p = jnp.concatenate([col, pad]).reshape(NW, CH_PER_W, CHUNK)
    x_pad = jnp.pad(x, ((0, N_PAD - N), (0, 0)))

    onesD = jnp.zeros((CHUNK, D), jnp.float32).at[:, 0].set(1.0)
    zerosD = jnp.zeros((N_PAD, D), jnp.float32)

    deg = _deg_kernel(col_p, zerosD, onesD)
    y = _prescale(deg, x_pad)
    acc = _agg_kernel(row_p, col_p, y, zerosD)
    return _final(deg, acc, x, W, b.reshape(1, D))

# --- scband reference (transcript-rebuilt; emitter-appended) ---
"""Pipeline reference for scband-gcnconv-20083267076568 (READ-ONLY COPY).

The authoritative reference and input builder live on the scoring server;
editing this copy changes nothing except your own understanding.
"""

import jax, jax.numpy as jnp
import numpy as np

N_NODES = 10000
N_EDGES = 320000
D_IN = 128
D_OUT = 128


def setup_inputs(seed: int = 0) -> dict:
    key = jax.random.key(seed)
    k1, k2, k3 = jax.random.split(key, 3)
    x = jax.random.normal(k1, (N_NODES, D_IN), dtype=jnp.float32)
    edge_index = jax.random.randint(k2, (2, N_EDGES), 0, N_NODES, dtype=jnp.int32)
    # Linear layer parameters (torch.nn.Linear: W [d_out, d_in], b [d_out])
    bound = 1.0 / np.sqrt(D_IN)
    kw, kb = jax.random.split(k3)
    W = jax.random.uniform(kw, (D_OUT, D_IN), dtype=jnp.float32, minval=-bound, maxval=bound)
    b = jax.random.uniform(kb, (D_OUT,), dtype=jnp.float32, minval=-bound, maxval=bound)
    return {"x": x, "edge_index": edge_index, "W": W, "b": b}


def _gcn_norm(edge_index, num_nodes, dtype):
    # gcn_norm with edge_weight=None, improved=False, add_self_loops=True
    row = edge_index[0]
    col = edge_index[1]
    loop = jnp.arange(num_nodes, dtype=edge_index.dtype)
    row = jnp.concatenate([row, loop])
    col = jnp.concatenate([col, loop])
    edge_weight = jnp.ones(row.shape[0], dtype=dtype)
    # degree computed over target nodes (col) for flow source_to_target
    deg = jnp.zeros((num_nodes,), dtype=dtype).at[col].add(edge_weight)
    deg_inv_sqrt = jnp.where(deg > 0, jax.lax.rsqrt(jnp.maximum(deg, 1e-12)), 0.0)
    norm = deg_inv_sqrt[row] * edge_weight * deg_inv_sqrt[col]
    return row, col, norm


def reference(x, edge_index, W, b):
    num_nodes = x.shape[0]
    row, col, norm = _gcn_norm(edge_index, num_nodes, x.dtype)
    # message: edge_weight.view(-1,1) * x_j  (x_j = x[row], source nodes)
    msg = norm[:, None] * jnp.take(x, row, axis=0)
    # aggregate: sum into target nodes (col)
    out = jnp.zeros((num_nodes, x.shape[1]), dtype=x.dtype).at[col].add(msg)
    # linear transform
    out = out @ W.T + b
    return out

if __name__ == "__main__":
    import jax
    _d = setup_inputs()
    print(jax.jit(kernel)(*tuple(_d.values())))

</pallas_src>

<mosaic_0001>
#map = affine_map<(d0, d1) -> (0, 0, 0)>
#map1 = affine_map<(d0, d1) -> (0, 0)>
module attributes {stable_mosaic.version = 14 : i64} {
  func.func @_deg_kernel(%arg0: i32, %arg1: i32, %arg2: memref<32x79x128xi32, #tpu.memory_space<hbm>>, %arg3: memref<10112x128xf32, #tpu.memory_space<hbm>>, %arg4: memref<128x128xf32, #tpu.memory_space<hbm>>, %arg5: memref<2x10112x128xf32, #tpu.memory_space<hbm>>, %arg6: memref<10112x128xf32, #tpu.memory_space<vmem_shared>>, %arg7: memref<79x128xi32, #tpu.memory_space<vmem>>, %arg8: memref<128x128xf32, #tpu.memory_space<vmem>>, %arg9: memref<!tpu.dma_semaphore, #tpu.memory_space<semaphore_mem>>) attributes {dimension_semantics = [#tpu.dimension_semantics<core_parallel>, #tpu.dimension_semantics<subcore_parallel>], iteration_bounds = array<i64: 2, 16>, scalar_prefetch = 0 : i64, scratch_operands = 4 : i64, tpu.core_type = #tpu.core_type<sc_vector_subcore>, window_params = [{transform_indices = #map}, {transform_indices = #map1}, {transform_indices = #map1}, {transform_indices = #map}]} {
    %mul3A = arith.constant 2 : i32
    %mul3A_0 = arith.muli %arg1, %mul3A : i32
    %add3A = arith.addi %mul3A_0, %arg0 : i32
    %mul3A_1 = arith.constant 632 : i32
    %mul3A_2 = arith.muli %arg1, %mul3A_1 : i32
    "tpu.region"() ({
      %run_scoped3A = tpu.sem_alloc : memref<!tpu.dma_semaphore, #tpu.memory_space<semaphore_mem>>
      %dma_start3A = arith.constant 0 : i32
      %dma_start3A_8 = tpu.memref_slice %arg6[%mul3A_2, %dma_start3A] : memref<10112x128xf32, #tpu.memory_space<vmem_shared>> -> memref<632x128xf32, #tpu.memory_space<vmem_shared>>
      %dma_start3A_9 = arith.constant 0 : i32
      %dma_start3A_10 = tpu.memref_slice %arg3[%mul3A_2, %dma_start3A_9] : memref<10112x128xf32, #tpu.memory_space<hbm>> -> memref<632x128xf32, #tpu.memory_space<hbm>>
      tpu.enqueue_dma source(%dma_start3A_10 : memref<632x128xf32, #tpu.memory_space<hbm>>) target(%dma_start3A_8 : memref<632x128xf32, #tpu.memory_space<vmem_shared>>) target_semaphore(%run_scoped3A : memref<!tpu.dma_semaphore, #tpu.memory_space<semaphore_mem>>)
      %dma_wait3A = arith.constant 0 : i32
      %dma_wait3A_11 = tpu.memref_slice %arg6[%mul3A_2, %dma_wait3A] : memref<10112x128xf32, #tpu.memory_space<vmem_shared>> -> memref<632x128xf32, #tpu.memory_space<vmem_shared>>
      %dma_wait3A_12 = arith.constant 0 : i32
      %dma_wait3A_13 = tpu.memref_slice %arg3[%mul3A_2, %dma_wait3A_12] : memref<10112x128xf32, #tpu.memory_space<hbm>> -> memref<632x128xf32, #tpu.memory_space<hbm>>
      tpu.wait_dma2 semaphore(%run_scoped3A : memref<!tpu.dma_semaphore, #tpu.memory_space<semaphore_mem>>) src(%dma_wait3A_13 : memref<632x128xf32, #tpu.memory_space<hbm>>) dst(%dma_wait3A_11 : memref<632x128xf32, #tpu.memory_space<vmem_shared>>)
      tpu.yield
    }) : () -> ()
    "tpu.region"() ({
      %run_scoped3A = tpu.sem_alloc : memref<!tpu.dma_semaphore, #tpu.memory_space<semaphore_mem>>
      tpu.enqueue_dma source(%arg4 : memref<128x128xf32, #tpu.memory_space<hbm>>) target(%arg8 : memref<128x128xf32, #tpu.memory_space<vmem>>) target_semaphore(%run_scoped3A : memref<!tpu.dma_semaphore, #tpu.memory_space<semaphore_mem>>)
      tpu.wait_dma2 semaphore(%run_scoped3A : memref<!tpu.dma_semaphore, #tpu.memory_space<semaphore_mem>>) src(%arg4 : memref<128x128xf32, #tpu.memory_space<hbm>>) dst(%arg8 : memref<128x128xf32, #tpu.memory_space<vmem>>)
      tpu.yield
    }) : () -> ()
    "tpu.region"() ({
      %run_scoped3A = tpu.sem_alloc : memref<!tpu.dma_semaphore, #tpu.memory_space<semaphore_mem>>
      %dma_start3A = arith.constant 0 : i32
      %dma_start3A_8 = arith.constant 0 : i32
      %dma_start3A_9 = tpu.memref_slice %arg2[%add3A, %dma_start3A, %dma_start3A_8] : memref<32x79x128xi32, #tpu.memory_space<hbm>> -> memref<1x79x128xi32, #tpu.memory_space<hbm>>
      %dma_start3A_10 = tpu.memref_squeeze %dma_start3A_9 : memref<1x79x128xi32, #tpu.memory_space<hbm>> -> memref<79x128xi32, #tpu.memory_space<hbm>>
      %dma_start3A_11 = arith.constant 0 : i32
      %dma_start3A_12 = arith.constant 0 : i32
      %dma_start3A_13 = tpu.memref_slice %arg2[%add3A, %dma_start3A_11, %dma_start3A_12] : memref<32x79x128xi32, #tpu.memory_space<hbm>> -> memref<1x79x128xi32, #tpu.memory_space<hbm>>
      %dma_start3A_14 = tpu.memref_squeeze %dma_start3A_13 : memref<1x79x128xi32, #tpu.memory_space<hbm>> -> memref<79x128xi32, #tpu.memory_space<hbm>>
      tpu.enqueue_dma source(%dma_start3A_14 : memref<79x128xi32, #tpu.memory_space<hbm>>) target(%arg7 : memref<79x128xi32, #tpu.memory_space<vmem>>) target_semaphore(%run_scoped3A : memref<!tpu.dma_semaphore, #tpu.memory_space<semaphore_mem>>)
      %dma_wait3A = arith.constant 0 : i32
      %dma_wait3A_15 = arith.constant 0 : i32
      %dma_wait3A_16 = tpu.memref_slice %arg2[%add3A, %dma_wait3A, %dma_wait3A_15] : memref<32x79x128xi32, #tpu.memory_space<hbm>> -> memref<1x79x128xi32, #tpu.memory_space<hbm>>
      %dma_wait3A_17 = tpu.memref_squeeze %dma_wait3A_16 : memref<1x79x128xi32, #tpu.memory_space<hbm>> -> memref<79x128xi32, #tpu.memory_space<hbm>>
      %dma_wait3A_18 = arith.constant 0 : i32
      %dma_wait3A_19 = arith.constant 0 : i32
      %dma_wait3A_20 = tpu.memref_slice %arg2[%add3A, %dma_wait3A_18, %dma_wait3A_19] : memref<32x79x128xi32, #tpu.memory_space<hbm>> -> memref<1x79x128xi32, #tpu.memory_space<hbm>>
      %dma_wait3A_21 = tpu.memref_squeeze %dma_wait3A_20 : memref<1x79x128xi32, #tpu.memory_space<hbm>> -> memref<79x128xi32, #tpu.memory_space<hbm>>
      tpu.wait_dma2 semaphore(%run_scoped3A : memref<!tpu.dma_semaphore, #tpu.memory_space<semaphore_mem>>) src(%dma_wait3A_21 : memref<79x128xi32, #tpu.memory_space<hbm>>) dst(%arg7 : memref<79x128xi32, #tpu.memory_space<vmem>>)
      tpu.yield
    }) : () -> ()
    %barrier3A = arith.constant 0 : index
    tpu.barrier barrier_id(%barrier3A)
    %scan3A = arith.constant 0 : i32
    %scan3A_3 = arith.constant 79 : i32
    %scan3A_4 = arith.addi %scan3A, %scan3A_3 : i32
    %scan3A_5 = arith.constant 1 : i32
    scf.for %scan3A_8 = %scan3A to %scan3A_4 step %scan3A_5  : i32 {
      "tpu.region"() ({
        %run_scoped3A = tpu.sem_alloc : memref<!tpu.dma_semaphore, #tpu.memory_space<semaphore_mem>>
        %dma_start3A = arith.constant 0 : i32
        %dma_start3A_9 = tpu.memref_slice %arg7[%scan3A_8, %dma_start3A] : memref<79x128xi32, #tpu.memory_space<vmem>> -> memref<1x128xi32, #tpu.memory_space<vmem>>
        %dma_start3A_10 = tpu.memref_squeeze %dma_start3A_9 : memref<1x128xi32, #tpu.memory_space<vmem>> -> memref<128xi32, #tpu.memory_space<vmem>>
        %dma_start3A_11 = arith.constant 0 : i32
        %dma_start3A_12 = arith.constant 0 : i32
        %dma_start3A_13 = tpu.memref_slice %arg6[%dma_start3A_11, %dma_start3A_12] : memref<10112x128xf32, #tpu.memory_space<vmem_shared>> -> memref<10112x128xf32, #tpu.memory_space<vmem_shared>>
        tpu.enqueue_indirect_dma source(%arg8 : memref<128x128xf32, #tpu.memory_space<vmem>>) target(%dma_start3A_13 : memref<10112x128xf32, #tpu.memory_space<vmem_shared>>) offsets(%dma_start3A_10 : memref<128xi32, #tpu.memory_space<vmem>>) semaphore(%run_scoped3A : memref<!tpu.dma_semaphore, #tpu.memory_space<semaphore_mem>>) {add = true}
        %dma_wait3A = arith.constant 0 : i32
        %dma_wait3A_14 = tpu.memref_slice %arg7[%scan3A_8, %dma_wait3A] : memref<79x128xi32, #tpu.memory_space<vmem>> -> memref<1x128xi32, #tpu.memory_space<vmem>>
        %dma_wait3A_15 = tpu.memref_squeeze %dma_wait3A_14 : memref<1x128xi32, #tpu.memory_space<vmem>> -> memref<128xi32, #tpu.memory_space<vmem>>
        %dma_wait3A_16 = arith.constant 0 : i32
        %dma_wait3A_17 = arith.constant 0 : i32
        %dma_wait3A_18 = tpu.memref_slice %arg6[%dma_wait3A_16, %dma_wait3A_17] : memref<10112x128xf32, #tpu.memory_space<vmem_shared>> -> memref<10112x128xf32, #tpu.memory_space<vmem_shared>>
        tpu.wait_indirect_dma semaphore(%run_scoped3A : memref<!tpu.dma_semaphore, #tpu.memory_space<semaphore_mem>>) src(%arg8 : memref<128x128xf32, #tpu.memory_space<vmem>>) dst(%dma_wait3A_18 : memref<10112x128xf32, #tpu.memory_space<vmem_shared>>)
        tpu.yield
      }) : () -> ()
    }
    %scan3A_6 = arith.constant 79 : i32
    %barrier3A_7 = arith.constant 0 : index
    tpu.barrier barrier_id(%barrier3A_7)
    "tpu.region"() ({
      %run_scoped3A = tpu.sem_alloc : memref<!tpu.dma_semaphore, #tpu.memory_space<semaphore_mem>>
      %dma_start3A = arith.constant 0 : i32
      %dma_start3A_8 = tpu.memref_slice %arg5[%arg0, %mul3A_2, %dma_start3A] : memref<2x10112x128xf32, #tpu.memory_space<hbm>> -> memref<1x632x128xf32, #tpu.memory_space<hbm>>
      %dma_start3A_9 = tpu.memref_squeeze %dma_start3A_8 : memref<1x632x128xf32, #tpu.memory_space<hbm>> -> memref<632x128xf32, #tpu.memory_space<hbm>>
      %dma_start3A_10 = arith.constant 0 : i32
      %dma_start3A_11 = tpu.memref_slice %arg6[%mul3A_2, %dma_start3A_10] : memref<10112x128xf32, #tpu.memory_space<vmem_shared>> -> memref<632x128xf32, #tpu.memory_space<vmem_shared>>
      tpu.enqueue_dma source(%dma_start3A_11 : memref<632x128xf32, #tpu.memory_space<vmem_shared>>) target(%dma_start3A_9 : memref<632x128xf32, #tpu.memory_space<hbm>>) target_semaphore(%run_scoped3A : memref<!tpu.dma_semaphore, #tpu.memory_space<semaphore_mem>>)
      %dma_wait3A = arith.constant 0 : i32
      %dma_wait3A_12 = tpu.memref_slice %arg5[%arg0, %mul3A_2, %dma_wait3A] : memref<2x10112x128xf32, #tpu.memory_space<hbm>> -> memref<1x632x128xf32, #tpu.memory_space<hbm>>
      %dma_wait3A_13 = tpu.memref_squeeze %dma_wait3A_12 : memref<1x632x128xf32, #tpu.memory_space<hbm>> -> memref<632x128xf32, #tpu.memory_space<hbm>>
      %dma_wait3A_14 = arith.constant 0 : i32
      %dma_wait3A_15 = tpu.memref_slice %arg6[%mul3A_2, %dma_wait3A_14] : memref<10112x128xf32, #tpu.memory_space<vmem_shared>> -> memref<632x128xf32, #tpu.memory_space<vmem_shared>>
      tpu.wait_dma2 semaphore(%run_scoped3A : memref<!tpu.dma_semaphore, #tpu.memory_space<semaphore_mem>>) src(%dma_wait3A_15 : memref<632x128xf32, #tpu.memory_space<vmem_shared>>) dst(%dma_wait3A_13 : memref<632x128xf32, #tpu.memory_space<hbm>>)
      tpu.yield
    }) : () -> ()
    return
  }
}

#map = affine_map<(d0, d1) -> (0, 0, 0)>
#map1 = affine_map<(d0, d1) -> (0, 0)>
module attributes {stable_mosaic.version = 14 : i64} {
  func.func @_agg_kernel(%arg0: i32, %arg1: i32, %arg2: memref<32x79x128xi32, #tpu.memory_space<hbm>>, %arg3: memref<32x79x128xi32, #tpu.memory_space<hbm>>, %arg4: memref<10112x128xf32, #tpu.memory_space<hbm>>, %arg5: memref<10112x128xf32, #tpu.memory_space<hbm>>, %arg6: memref<2x10112x128xf32, #tpu.memory_space<hbm>>, %arg7: memref<10112x128xf32, #tpu.memory_space<vmem_shared>>, %arg8: memref<40x128xi32, #tpu.memory_space<vmem>>, %arg9: memref<40x128xi32, #tpu.memory_space<vmem>>, %arg10: memref<2x128x128xf32, #tpu.memory_space<vmem>>, %arg11: memref<!tpu.dma_semaphore, #tpu.memory_space<semaphore_mem>>) attributes {dimension_semantics = [#tpu.dimension_semantics<core_parallel>, #tpu.dimension_semantics<subcore_parallel>], iteration_bounds = array<i64: 2, 16>, scalar_prefetch = 0 : i64, scratch_operands = 5 : i64, tpu.core_type = #tpu.core_type<sc_vector_subcore>, window_params = [{transform_indices = #map}, {transform_indices = #map}, {transform_indices = #map1}, {transform_indices = #map1}, {transform_indices = #map}]} {
    %mul3A = arith.constant 2 : i32
    %mul3A_0 = arith.muli %arg1, %mul3A : i32
    %add3A = arith.addi %mul3A_0, %arg0 : i32
    %mul3A_1 = arith.constant 632 : i32
    %mul3A_2 = arith.muli %arg1, %mul3A_1 : i32
    "tpu.region"() ({
      %run_scoped3A = tpu.sem_alloc : memref<!tpu.dma_semaphore, #tpu.memory_space<semaphore_mem>>
      %dma_start3A_60 = arith.constant 0 : i32
      %dma_start3A_61 = tpu.memref_slice %arg7[%mul3A_2, %dma_start3A_60] : memref<10112x128xf32, #tpu.memory_space<vmem_shared>> -> memref<632x128xf32, #tpu.memory_space<vmem_shared>>
      %dma_start3A_62 = arith.constant 0 : i32
      %dma_start3A_63 = tpu.memref_slice %arg5[%mul3A_2, %dma_start3A_62] : memref<10112x128xf32, #tpu.memory_space<hbm>> -> memref<632x128xf32, #tpu.memory_space<hbm>>
      tpu.enqueue_dma source(%dma_start3A_63 : memref<632x128xf32, #tpu.memory_space<hbm>>) target(%dma_start3A_61 : memref<632x128xf32, #tpu.memory_space<vmem_shared>>) target_semaphore(%run_scoped3A : memref<!tpu.dma_semaphore, #tpu.memory_space<semaphore_mem>>)
      %dma_wait3A = arith.constant 0 : i32
      %dma_wait3A_64 = tpu.memref_slice %arg7[%mul3A_2, %dma_wait3A] : memref<10112x128xf32, #tpu.memory_space<vmem_shared>> -> memref<632x128xf32, #tpu.memory_space<vmem_shared>>
      %dma_wait3A_65 = arith.constant 0 : i32
      %dma_wait3A_66 = tpu.memref_slice %arg5[%mul3A_2, %dma_wait3A_65] : memref<10112x128xf32, #tpu.memory_space<hbm>> -> memref<632x128xf32, #tpu.memory_space<hbm>>
      tpu.wait_dma2 semaphore(%run_scoped3A : memref<!tpu.dma_semaphore, #tpu.memory_space<semaphore_mem>>) src(%dma_wait3A_66 : memref<632x128xf32, #tpu.memory_space<hbm>>) dst(%dma_wait3A_64 : memref<632x128xf32, #tpu.memory_space<vmem_shared>>)
      tpu.yield
    }) : () -> ()
    %barrier3A = arith.constant 0 : index
    tpu.barrier barrier_id(%barrier3A)
    "tpu.region"() ({
      %run_scoped3A = tpu.sem_alloc : memref<!tpu.dma_semaphore, #tpu.memory_space<semaphore_mem>>
      %dma_start3A_60 = arith.constant 0 : i32
      %dma_start3A_61 = arith.constant 0 : i32
      %dma_start3A_62 = tpu.memref_slice %arg8[%dma_start3A_60, %dma_start3A_61] : memref<40x128xi32, #tpu.memory_space<vmem>> -> memref<40x128xi32, #tpu.memory_space<vmem>>
      %dma_start3A_63 = arith.constant 0 : i32
      %dma_start3A_64 = arith.constant 0 : i32
      %dma_start3A_65 = tpu.memref_slice %arg2[%add3A, %dma_start3A_63, %dma_start3A_64] : memref<32x79x128xi32, #tpu.memory_space<hbm>> -> memref<1x40x128xi32, #tpu.memory_space<hbm>>
      %dma_start3A_66 = tpu.memref_squeeze %dma_start3A_65 : memref<1x40x128xi32, #tpu.memory_space<hbm>> -> memref<40x128xi32, #tpu.memory_space<hbm>>
      %dma_start3A_67 = arith.constant 0 : i32
      %dma_start3A_68 = arith.constant 0 : i32
      %dma_start3A_69 = tpu.memref_slice %arg8[%dma_start3A_67, %dma_start3A_68] : memref<40x128xi32, #tpu.memory_space<vmem>> -> memref<40x128xi32, #tpu.memory_space<vmem>>
      %dma_start3A_70 = arith.constant 0 : i32
      %dma_start3A_71 = arith.constant 0 : i32
      %dma_start3A_72 = tpu.memref_slice %arg2[%add3A, %dma_start3A_70, %dma_start3A_71] : memref<32x79x128xi32, #tpu.memory_space<hbm>> -> memref<1x40x128xi32, #tpu.memory_space<hbm>>
      %dma_start3A_73 = tpu.memref_squeeze %dma_start3A_72 : memref<1x40x128xi32, #tpu.memory_space<hbm>> -> memref<40x128xi32, #tpu.memory_space<hbm>>
      tpu.enqueue_dma source(%dma_start3A_73 : memref<40x128xi32, #tpu.memory_space<hbm>>) target(%dma_start3A_69 : memref<40x128xi32, #tpu.memory_space<vmem>>) target_semaphore(%run_scoped3A : memref<!tpu.dma_semaphore, #tpu.memory_space<semaphore_mem>>)
      %dma_wait3A = arith.constant 0 : i32
      %dma_wait3A_74 = arith.constant 0 : i32
      %dma_wait3A_75 = tpu.memref_slice %arg8[%dma_wait3A, %dma_wait3A_74] : memref<40x128xi32, #tpu.memory_space<vmem>> -> memref<40x128xi32, #tpu.memory_space<vmem>>
      %dma_wait3A_76 = arith.constant 0 : i32
      %dma_wait3A_77 = arith.constant 0 : i32
      %dma_wait3A_78 = tpu.memref_slice %arg2[%add3A, %dma_wait3A_76, %dma_wait3A_77] : memref<32x79x128xi32, #tpu.memory_space<hbm>> -> memref<1x40x128xi32, #tpu.memory_space<hbm>>
      %dma_wait3A_79 = tpu.memref_squeeze %dma_wait3A_78 : memref<1x40x128xi32, #tpu.memory_space<hbm>> -> memref<40x128xi32, #tpu.memory_space<hbm>>
      %dma_wait3A_80 = arith.constant 0 : i32
      %dma_wait3A_81 = arith.constant 0 : i32
      %dma_wait3A_82 = tpu.memref_slice %arg8[%dma_wait3A_80, %dma_wait3A_81] : memref<40x128xi32, #tpu.memory_space<vmem>> -> memref<40x128xi32, #tpu.memory_space<vmem>>
      %dma_wait3A_83 = arith.constant 0 : i32
      %dma_wait3A_84 = arith.constant 0 : i32
      %dma_wait3A_85 = tpu.memref_slice %arg2[%add3A, %dma_wait3A_83, %dma_wait3A_84] : memref<32x79x128xi32, #tpu.memory_space<hbm>> -> memref<1x40x128xi32, #tpu.memory_space<hbm>>
      %dma_wait3A_86 = tpu.memref_squeeze %dma_wait3A_85 : memref<1x40x128xi32, #tpu.memory_space<hbm>> -> memref<40x128xi32, #tpu.memory_space<hbm>>
      tpu.wait_dma2 semaphore(%run_scoped3A : memref<!tpu.dma_semaphore, #tpu.memory_space<semaphore_mem>>) src(%dma_wait3A_86 : memref<40x128xi32, #tpu.memory_space<hbm>>) dst(%dma_wait3A_82 : memref<40x128xi32, #tpu.memory_space<vmem>>)
      tpu.yield
    }) : () -> ()
    "tpu.region"() ({
      %run_scoped3A = tpu.sem_alloc : memref<!tpu.dma_semaphore, #tpu.memory_space<semaphore_mem>>
      %dma_start3A_60 = arith.constant 0 : i32
      %dma_start3A_61 = arith.constant 0 : i32
      %dma_start3A_62 = tpu.memref_slice %arg9[%dma_start3A_60, %dma_start3A_61] : memref<40x128xi32, #tpu.memory_space<vmem>> -> memref<40x128xi32, #tpu.memory_space<vmem>>
      %dma_start3A_63 = arith.constant 0 : i32
      %dma_start3A_64 = arith.constant 0 : i32
      %dma_start3A_65 = tpu.memref_slice %arg3[%add3A, %dma_start3A_63, %dma_start3A_64] : memref<32x79x128xi32, #tpu.memory_space<hbm>> -> memref<1x40x128xi32, #tpu.memory_space<hbm>>
      %dma_start3A_66 = tpu.memref_squeeze %dma_start3A_65 : memref<1x40x128xi32, #tpu.memory_space<hbm>> -> memref<40x128xi32, #tpu.memory_space<hbm>>
      %dma_start3A_67 = arith.constant 0 : i32
      %dma_start3A_68 = arith.constant 0 : i32
      %dma_start3A_69 = tpu.memref_slice %arg9[%dma_start3A_67, %dma_start3A_68] : memref<40x128xi32, #tpu.memory_space<vmem>> -> memref<40x128xi32, #tpu.memory_space<vmem>>
      %dma_start3A_70 = arith.constant 0 : i32
      %dma_start3A_71 = arith.constant 0 : i32
      %dma_start3A_72 = tpu.memref_slice %arg3[%add3A, %dma_start3A_70, %dma_start3A_71] : memref<32x79x128xi32, #tpu.memory_space<hbm>> -> memref<1x40x128xi32, #tpu.memory_space<hbm>>
      %dma_start3A_73 = tpu.memref_squeeze %dma_start3A_72 : memref<1x40x128xi32, #tpu.memory_space<hbm>> -> memref<40x128xi32, #tpu.memory_space<hbm>>
      tpu.enqueue_dma source(%dma_start3A_73 : memref<40x128xi32, #tpu.memory_space<hbm>>) target(%dma_start3A_69 : memref<40x128xi32, #tpu.memory_space<vmem>>) target_semaphore(%run_scoped3A : memref<!tpu.dma_semaphore, #tpu.memory_space<semaphore_mem>>)
      %dma_wait3A = arith.constant 0 : i32
      %dma_wait3A_74 = arith.constant 0 : i32
      %dma_wait3A_75 = tpu.memref_slice %arg9[%dma_wait3A, %dma_wait3A_74] : memref<40x128xi32, #tpu.memory_space<vmem>> -> memref<40x128xi32, #tpu.memory_space<vmem>>
      %dma_wait3A_76 = arith.constant 0 : i32
      %dma_wait3A_77 = arith.constant 0 : i32
      %dma_wait3A_78 = tpu.memref_slice %arg3[%add3A, %dma_wait3A_76, %dma_wait3A_77] : memref<32x79x128xi32, #tpu.memory_space<hbm>> -> memref<1x40x128xi32, #tpu.memory_space<hbm>>
      %dma_wait3A_79 = tpu.memref_squeeze %dma_wait3A_78 : memref<1x40x128xi32, #tpu.memory_space<hbm>> -> memref<40x128xi32, #tpu.memory_space<hbm>>
      %dma_wait3A_80 = arith.constant 0 : i32
      %dma_wait3A_81 = arith.constant 0 : i32
      %dma_wait3A_82 = tpu.memref_slice %arg9[%dma_wait3A_80, %dma_wait3A_81] : memref<40x128xi32, #tpu.memory_space<vmem>> -> memref<40x128xi32, #tpu.memory_space<vmem>>
      %dma_wait3A_83 = arith.constant 0 : i32
      %dma_wait3A_84 = arith.constant 0 : i32
      %dma_wait3A_85 = tpu.memref_slice %arg3[%add3A, %dma_wait3A_83, %dma_wait3A_84] : memref<32x79x128xi32, #tpu.memory_space<hbm>> -> memref<1x40x128xi32, #tpu.memory_space<hbm>>
      %dma_wait3A_86 = tpu.memref_squeeze %dma_wait3A_85 : memref<1x40x128xi32, #tpu.memory_space<hbm>> -> memref<40x128xi32, #tpu.memory_space<hbm>>
      tpu.wait_dma2 semaphore(%run_scoped3A : memref<!tpu.dma_semaphore, #tpu.memory_space<semaphore_mem>>) src(%dma_wait3A_86 : memref<40x128xi32, #tpu.memory_space<hbm>>) dst(%dma_wait3A_82 : memref<40x128xi32, #tpu.memory_space<vmem>>)
      tpu.yield
    }) : () -> ()
    %dma_start3A = arith.constant 0 : i32
    %dma_start3A_3 = arith.constant 0 : i32
    %dma_start3A_4 = arith.constant 0 : i32
    %dma_start3A_5 = arith.constant 0 : i32
    %dma_start3A_6 = tpu.memref_slice %arg10[%dma_start3A_3, %dma_start3A_4, %dma_start3A_5] : memref<2x128x128xf32, #tpu.memory_space<vmem>> -> memref<1x64x128xf32, #tpu.memory_space<vmem>>
    %dma_start3A_7 = tpu.memref_squeeze %dma_start3A_6 : memref<1x64x128xf32, #tpu.memory_space<vmem>> -> memref<64x128xf32, #tpu.memory_space<vmem>>
    %dma_start3A_8 = arith.constant 0 : i32
    %dma_start3A_9 = tpu.memref_slice %arg8[%dma_start3A, %dma_start3A_8] : memref<40x128xi32, #tpu.memory_space<vmem>> -> memref<1x64xi32, #tpu.memory_space<vmem>>
    %dma_start3A_10 = tpu.memref_squeeze %dma_start3A_9 : memref<1x64xi32, #tpu.memory_space<vmem>> -> memref<64xi32, #tpu.memory_space<vmem>>
    %dma_start3A_11 = arith.constant 0 : i32
    %dma_start3A_12 = arith.constant 0 : i32
    %dma_start3A_13 = tpu.memref_slice %arg4[%dma_start3A_11, %dma_start3A_12] : memref<10112x128xf32, #tpu.memory_space<hbm>> -> memref<10112x128xf32, #tpu.memory_space<hbm>>
    tpu.enqueue_indirect_dma source(%dma_start3A_13 : memref<10112x128xf32, #tpu.memory_space<hbm>>) target(%dma_start3A_7 : memref<64x128xf32, #tpu.memory_space<vmem>>) offsets(%dma_start3A_10 : memref<64xi32, #tpu.memory_space<vmem>>) semaphore(%arg11 : memref<!tpu.dma_semaphore, #tpu.memory_space<semaphore_mem>>)
    %dma_start3A_14 = arith.constant 0 : i32
    %dma_start3A_15 = arith.constant 0 : i32
    %dma_start3A_16 = arith.constant 64 : i32
    %dma_start3A_17 = arith.constant 0 : i32
    %dma_start3A_18 = tpu.memref_slice %arg10[%dma_start3A_15, %dma_start3A_16, %dma_start3A_17] : memref<2x128x128xf32, #tpu.memory_space<vmem>> -> memref<1x64x128xf32, #tpu.memory_space<vmem>>
    %dma_start3A_19 = tpu.memref_squeeze %dma_start3A_18 : memref<1x64x128xf32, #tpu.memory_space<vmem>> -> memref<64x128xf32, #tpu.memory_space<vmem>>
    %dma_start3A_20 = arith.constant 64 : i32
    %dma_start3A_21 = tpu.memref_slice %arg8[%dma_start3A_14, %dma_start3A_20] : memref<40x128xi32, #tpu.memory_space<vmem>> -> memref<1x64xi32, #tpu.memory_space<vmem>>
    %dma_start3A_22 = tpu.memref_squeeze %dma_start3A_21 : memref<1x64xi32, #tpu.memory_space<vmem>> -> memref<64xi32, #tpu.memory_space<vmem>>
    %dma_start3A_23 = arith.constant 0 : i32
    %dma_start3A_24 = arith.constant 0 : i32
    %dma_start3A_25 = tpu.memref_slice %arg4[%dma_start3A_23, %dma_start3A_24] : memref<10112x128xf32, #tpu.memory_space<hbm>> -> memref<10112x128xf32, #tpu.memory_space<hbm>>
    tpu.enqueue_indirect_dma source(%dma_start3A_25 : memref<10112x128xf32, #tpu.memory_space<hbm>>) target(%dma_start3A_19 : memref<64x128xf32, #tpu.memory_space<vmem>>) offsets(%dma_start3A_22 : memref<64xi32, #tpu.memory_space<vmem>>) semaphore(%arg11 : memref<!tpu.dma_semaphore, #tpu.memory_space<semaphore_mem>>)
    %scan3A = arith.constant 0 : i32
    %scan3A_26 = arith.constant 40 : i32
    %scan3A_27 = arith.addi %scan3A, %scan3A_26 : i32
    %scan3A_28 = arith.constant 1 : i32
    scf.for %scan3A_60 = %scan3A to %scan3A_27 step %scan3A_28  : i32 {
      %rem3A = arith.constant 2 : i32
      %rem3A_61 = arith.remsi %scan3A_60, %rem3A : i32
      %dma_wait3A = arith.constant 0 : i32
      %dma_wait3A_62 = arith.constant 0 : i32
      %dma_wait3A_63 = tpu.memref_slice %arg10[%rem3A_61, %dma_wait3A, %dma_wait3A_62] : memref<2x128x128xf32, #tpu.memory_space<vmem>> -> memref<1x64x128xf32, #tpu.memory_space<vmem>>
      %dma_wait3A_64 = tpu.memref_squeeze %dma_wait3A_63 : memref<1x64x128xf32, #tpu.memory_space<vmem>> -> memref<64x128xf32, #tpu.memory_space<vmem>>
      %dma_wait3A_65 = arith.constant 0 : i32
      %dma_wait3A_66 = tpu.memref_slice %arg8[%scan3A_60, %dma_wait3A_65] : memref<40x128xi32, #tpu.memory_space<vmem>> -> memref<1x64xi32, #tpu.memory_space<vmem>>
      %dma_wait3A_67 = tpu.memref_squeeze %dma_wait3A_66 : memref<1x64xi32, #tpu.memory_space<vmem>> -> memref<64xi32, #tpu.memory_space<vmem>>
      %dma_wait3A_68 = arith.constant 0 : i32
      %dma_wait3A_69 = arith.constant 0 : i32
      %dma_wait3A_70 = tpu.memref_slice %arg4[%dma_wait3A_68, %dma_wait3A_69] : memref<10112x128xf32, #tpu.memory_space<hbm>> -> memref<10112x128xf32, #tpu.memory_space<hbm>>
      tpu.wait_indirect_dma semaphore(%arg11 : memref<!tpu.dma_semaphore, #tpu.memory_space<semaphore_mem>>) src(%dma_wait3A_70 : memref<10112x128xf32, #tpu.memory_space<hbm>>) dst(%dma_wait3A_64 : memref<64x128xf32, #tpu.memory_space<vmem>>)
      %dma_wait3A_71 = arith.constant 64 : i32
      %dma_wait3A_72 = arith.constant 0 : i32
      %dma_wait3A_73 = tpu.memref_slice %arg10[%rem3A_61, %dma_wait3A_71, %dma_wait3A_72] : memref<2x128x128xf32, #tpu.memory_space<vmem>> -> memref<1x64x128xf32, #tpu.memory_space<vmem>>
      %dma_wait3A_74 = tpu.memref_squeeze %dma_wait3A_73 : memref<1x64x128xf32, #tpu.memory_space<vmem>> -> memref<64x128xf32, #tpu.memory_space<vmem>>
      %dma_wait3A_75 = arith.constant 64 : i32
      %dma_wait3A_76 = tpu.memref_slice %arg8[%scan3A_60, %dma_wait3A_75] : memref<40x128xi32, #tpu.memory_space<vmem>> -> memref<1x64xi32, #tpu.memory_space<vmem>>
      %dma_wait3A_77 = tpu.memref_squeeze %dma_wait3A_76 : memref<1x64xi32, #tpu.memory_space<vmem>> -> memref<64xi32, #tpu.memory_space<vmem>>
      %dma_wait3A_78 = arith.constant 0 : i32
      %dma_wait3A_79 = arith.constant 0 : i32
      %dma_wait3A_80 = tpu.memref_slice %arg4[%dma_wait3A_78, %dma_wait3A_79] : memref<10112x128xf32, #tpu.memory_space<hbm>> -> memref<10112x128xf32, #tpu.memory_space<hbm>>
      tpu.wait_indirect_dma semaphore(%arg11 : memref<!tpu.dma_semaphore, #tpu.memory_space<semaphore_mem>>) src(%dma_wait3A_80 : memref<10112x128xf32, #tpu.memory_space<hbm>>) dst(%dma_wait3A_74 : memref<64x128xf32, #tpu.memory_space<vmem>>)
      %lt3A = arith.constant 39 : i32
      %lt3A_81 = arith.cmpi slt, %scan3A_60, %lt3A : i32
      %convert_element_type3A = arith.extui %lt3A_81 : i1 to i32
      %cond3A = arith.constant 0 : i32
      %cond3A_82 = arith.cmpi ne, %convert_element_type3A, %cond3A : i32
      scf.if %cond3A_82 {
        %add3A_83 = arith.constant 1 : i32
        %add3A_84 = arith.addi %scan3A_60, %add3A_83 : i32
        %sub3A = arith.constant 1 : i32
        %sub3A_85 = arith.subi %sub3A, %rem3A_61 : i32
        %dma_start3A_86 = arith.constant 0 : i32
        %dma_start3A_87 = arith.constant 0 : i32
        %dma_start3A_88 = tpu.memref_slice %arg10[%sub3A_85, %dma_start3A_86, %dma_start3A_87] : memref<2x128x128xf32, #tpu.memory_space<vmem>> -> memref<1x64x128xf32, #tpu.memory_space<vmem>>
        %dma_start3A_89 = tpu.memref_squeeze %dma_start3A_88 : memref<1x64x128xf32, #tpu.memory_space<vmem>> -> memref<64x128xf32, #tpu.memory_space<vmem>>
        %dma_start3A_90 = arith.constant 0 : i32
        %dma_start3A_91 = tpu.memref_slice %arg8[%add3A_84, %dma_start3A_90] : memref<40x128xi32, #tpu.memory_space<vmem>> -> memref<1x64xi32, #tpu.memory_space<vmem>>
        %dma_start3A_92 = tpu.memref_squeeze %dma_start3A_91 : memref<1x64xi32, #tpu.memory_space<vmem>> -> memref<64xi32, #tpu.memory_space<vmem>>
        %dma_start3A_93 = arith.constant 0 : i32
        %dma_start3A_94 = arith.constant 0 : i32
        %dma_start3A_95 = tpu.memref_slice %arg4[%dma_start3A_93, %dma_start3A_94] : memref<10112x128xf32, #tpu.memory_space<hbm>> -> memref<10112x128xf32, #tpu.memory_space<hbm>>
        tpu.enqueue_indirect_dma source(%dma_start3A_95 : memref<10112x128xf32, #tpu.memory_space<hbm>>) target(%dma_start3A_89 : memref<64x128xf32, #tpu.memory_space<vmem>>) offsets(%dma_start3A_92 : memref<64xi32, #tpu.memory_space<vmem>>) semaphore(%arg11 : memref<!tpu.dma_semaphore, #tpu.memory_space<semaphore_mem>>)
        %dma_start3A_96 = arith.constant 64 : i32
        %dma_start3A_97 = arith.constant 0 : i32
        %dma_start3A_98 = tpu.memref_slice %arg10[%sub3A_85, %dma_start3A_96, %dma_start3A_97] : memref<2x128x128xf32, #tpu.memory_space<vmem>> -> memref<1x64x128xf32, #tpu.memory_space<vmem>>
        %dma_start3A_99 = tpu.memref_squeeze %dma_start3A_98 : memref<1x64x128xf32, #tpu.memory_space<vmem>> -> memref<64x128xf32, #tpu.memory_space<vmem>>
        %dma_start3A_100 = arith.constant 64 : i32
        %dma_start3A_101 = tpu.memref_slice %arg8[%add3A_84, %dma_start3A_100] : memref<40x128xi32, #tpu.memory_space<vmem>> -> memref<1x64xi32, #tpu.memory_space<vmem>>
        %dma_start3A_102 = tpu.memref_squeeze %dma_start3A_101 : memref<1x64xi32, #tpu.memory_space<vmem>> -> memref<64xi32, #tpu.memory_space<vmem>>
        %dma_start3A_103 = arith.constant 0 : i32
        %dma_start3A_104 = arith.constant 0 : i32
        %dma_start3A_105 = tpu.memref_slice %arg4[%dma_start3A_103, %dma_start3A_104] : memref<10112x128xf32, #tpu.memory_space<hbm>> -> memref<10112x128xf32, #tpu.memory_space<hbm>>
        tpu.enqueue_indirect_dma source(%dma_start3A_105 : memref<10112x128xf32, #tpu.memory_space<hbm>>) target(%dma_start3A_99 : memref<64x128xf32, #tpu.memory_space<vmem>>) offsets(%dma_start3A_102 : memref<64xi32, #tpu.memory_space<vmem>>) semaphore(%arg11 : memref<!tpu.dma_semaphore, #tpu.memory_space<semaphore_mem>>)
      } else {
      }
      "tpu.region"() ({
        %run_scoped3A = tpu.sem_alloc : memref<!tpu.dma_semaphore, #tpu.memory_space<semaphore_mem>>
        %dma_start3A_83 = arith.constant 0 : i32
        %dma_start3A_84 = arith.constant 0 : i32
        %dma_start3A_85 = tpu.memref_slice %arg10[%rem3A_61, %dma_start3A_83, %dma_start3A_84] : memref<2x128x128xf32, #tpu.memory_space<vmem>> -> memref<1x128x128xf32, #tpu.memory_space<vmem>>
        %dma_start3A_86 = tpu.memref_squeeze %dma_start3A_85 : memref<1x128x128xf32, #tpu.memory_space<vmem>> -> memref<128x128xf32, #tpu.memory_space<vmem>>
        %dma_start3A_87 = arith.constant 0 : i32
        %dma_start3A_88 = tpu.memref_slice %arg9[%scan3A_60, %dma_start3A_87] : memref<40x128xi32, #tpu.memory_space<vmem>> -> memref<1x128xi32, #tpu.memory_space<vmem>>
        %dma_start3A_89 = tpu.memref_squeeze %dma_start3A_88 : memref<1x128xi32, #tpu.memory_space<vmem>> -> memref<128xi32, #tpu.memory_space<vmem>>
        %dma_start3A_90 = arith.constant 0 : i32
        %dma_start3A_91 = arith.constant 0 : i32
        %dma_start3A_92 = tpu.memref_slice %arg7[%dma_start3A_90, %dma_start3A_91] : memref<10112x128xf32, #tpu.memory_space<vmem_shared>> -> memref<10112x128xf32, #tpu.memory_space<vmem_shared>>
        tpu.enqueue_indirect_dma source(%dma_start3A_86 : memref<128x128xf32, #tpu.memory_space<vmem>>) target(%dma_start3A_92 : memref<10112x128xf32, #tpu.memory_space<vmem_shared>>) offsets(%dma_start3A_89 : memref<128xi32, #tpu.memory_space<vmem>>) semaphore(%run_scoped3A : memref<!tpu.dma_semaphore, #tpu.memory_space<semaphore_mem>>) {add = true}
        %dma_wait3A_93 = arith.constant 0 : i32
        %dma_wait3A_94 = arith.constant 0 : i32
        %dma_wait3A_95 = tpu.memref_slice %arg10[%rem3A_61, %dma_wait3A_93, %dma_wait3A_94] : memref<2x128x128xf32, #tpu.memory_space<vmem>> -> memref<1x128x128xf32, #tpu.memory_space<vmem>>
        %dma_wait3A_96 = tpu.memref_squeeze %dma_wait3A_95 : memref<1x128x128xf32, #tpu.memory_space<vmem>> -> memref<128x128xf32, #tpu.memory_space<vmem>>
        %dma_wait3A_97 = arith.constant 0 : i32
        %dma_wait3A_98 = tpu.memref_slice %arg9[%scan3A_60, %dma_wait3A_97] : memref<40x128xi32, #tpu.memory_space<vmem>> -> memref<1x128xi32, #tpu.memory_space<vmem>>
        %dma_wait3A_99 = tpu.memref_squeeze %dma_wait3A_98 : memref<1x128xi32, #tpu.memory_space<vmem>> -> memref<128xi32, #tpu.memory_space<vmem>>
        %dma_wait3A_100 = arith.constant 0 : i32
        %dma_wait3A_101 = arith.constant 0 : i32
        %dma_wait3A_102 = tpu.memref_slice %arg7[%dma_wait3A_100, %dma_wait3A_101] : memref<10112x128xf32, #tpu.memory_space<vmem_shared>> -> memref<10112x128xf32, #tpu.memory_space<vmem_shared>>
        tpu.wait_indirect_dma semaphore(%run_scoped3A : memref<!tpu.dma_semaphore, #tpu.memory_space<semaphore_mem>>) src(%dma_wait3A_96 : memref<128x128xf32, #tpu.memory_space<vmem>>) dst(%dma_wait3A_102 : memref<10112x128xf32, #tpu.memory_space<vmem_shared>>)
        tpu.yield
      }) : () -> ()
    }
    %scan3A_29 = arith.constant 40 : i32
    "tpu.region"() ({
      %run_scoped3A = tpu.sem_alloc : memref<!tpu.dma_semaphore, #tpu.memory_space<semaphore_mem>>
      %dma_start3A_60 = arith.constant 0 : i32
      %dma_start3A_61 = arith.constant 0 : i32
      %dma_start3A_62 = tpu.memref_slice %arg8[%dma_start3A_60, %dma_start3A_61] : memref<40x128xi32, #tpu.memory_space<vmem>> -> memref<39x128xi32, #tpu.memory_space<vmem>>
      %dma_start3A_63 = arith.constant 40 : i32
      %dma_start3A_64 = arith.constant 0 : i32
      %dma_start3A_65 = tpu.memref_slice %arg2[%add3A, %dma_start3A_63, %dma_start3A_64] : memref<32x79x128xi32, #tpu.memory_space<hbm>> -> memref<1x39x128xi32, #tpu.memory_space<hbm>>
      %dma_start3A_66 = tpu.memref_squeeze %dma_start3A_65 : memref<1x39x128xi32, #tpu.memory_space<hbm>> -> memref<39x128xi32, #tpu.memory_space<hbm>>
      %dma_start3A_67 = arith.constant 0 : i32
      %dma_start3A_68 = arith.constant 0 : i32
      %dma_start3A_69 = tpu.memref_slice %arg8[%dma_start3A_67, %dma_start3A_68] : memref<40x128xi32, #tpu.memory_space<vmem>> -> memref<39x128xi32, #tpu.memory_space<vmem>>
      %dma_start3A_70 = arith.constant 40 : i32
      %dma_start3A_71 = arith.constant 0 : i32
      %dma_start3A_72 = tpu.memref_slice %arg2[%add3A, %dma_start3A_70, %dma_start3A_71] : memref<32x79x128xi32, #tpu.memory_space<hbm>> -> memref<1x39x128xi32, #tpu.memory_space<hbm>>
      %dma_start3A_73 = tpu.memref_squeeze %dma_start3A_72 : memref<1x39x128xi32, #tpu.memory_space<hbm>> -> memref<39x128xi32, #tpu.memory_space<hbm>>
      tpu.enqueue_dma source(%dma_start3A_73 : memref<39x128xi32, #tpu.memory_space<hbm>>) target(%dma_start3A_69 : memref<39x128xi32, #tpu.memory_space<vmem>>) target_semaphore(%run_scoped3A : memref<!tpu.dma_semaphore, #tpu.memory_space<semaphore_mem>>)
      %dma_wait3A = arith.constant 0 : i32
      %dma_wait3A_74 = arith.constant 0 : i32
      %dma_wait3A_75 = tpu.memref_slice %arg8[%dma_wait3A, %dma_wait3A_74] : memref<40x128xi32, #tpu.memory_space<vmem>> -> memref<39x128xi32, #tpu.memory_space<vmem>>
      %dma_wait3A_76 = arith.constant 40 : i32
      %dma_wait3A_77 = arith.constant 0 : i32
      %dma_wait3A_78 = tpu.memref_slice %arg2[%add3A, %dma_wait3A_76, %dma_wait3A_77] : memref<32x79x128xi32, #tpu.memory_space<hbm>> -> memref<1x39x128xi32, #tpu.memory_space<hbm>>
      %dma_wait3A_79 = tpu.memref_squeeze %dma_wait3A_78 : memref<1x39x128xi32, #tpu.memory_space<hbm>> -> memref<39x128xi32, #tpu.memory_space<hbm>>
      %dma_wait3A_80 = arith.constant 0 : i32
      %dma_wait3A_81 = arith.constant 0 : i32
      %dma_wait3A_82 = tpu.memref_slice %arg8[%dma_wait3A_80, %dma_wait3A_81] : memref<40x128xi32, #tpu.memory_space<vmem>> -> memref<39x128xi32, #tpu.memory_space<vmem>>
      %dma_wait3A_83 = arith.constant 40 : i32
      %dma_wait3A_84 = arith.constant 0 : i32
      %dma_wait3A_85 = tpu.memref_slice %arg2[%add3A, %dma_wait3A_83, %dma_wait3A_84] : memref<32x79x128xi32, #tpu.memory_space<hbm>> -> memref<1x39x128xi32, #tpu.memory_space<hbm>>
      %dma_wait3A_86 = tpu.memref_squeeze %dma_wait3A_85 : memref<1x39x128xi32, #tpu.memory_space<hbm>> -> memref<39x128xi32, #tpu.memory_space<hbm>>
      tpu.wait_dma2 semaphore(%run_scoped3A : memref<!tpu.dma_semaphore, #tpu.memory_space<semaphore_mem>>) src(%dma_wait3A_86 : memref<39x128xi32, #tpu.memory_space<hbm>>) dst(%dma_wait3A_82 : memref<39x128xi32, #tpu.memory_space<vmem>>)
      tpu.yield
    }) : () -> ()
    "tpu.region"() ({
      %run_scoped3A = tpu.sem_alloc : memref<!tpu.dma_semaphore, #tpu.memory_space<semaphore_mem>>
      %dma_start3A_60 = arith.constant 0 : i32
      %dma_start3A_61 = arith.constant 0 : i32
      %dma_start3A_62 = tpu.memref_slice %arg9[%dma_start3A_60, %dma_start3A_61] : memref<40x128xi32, #tpu.memory_space<vmem>> -> memref<39x128xi32, #tpu.memory_space<vmem>>
      %dma_start3A_63 = arith.constant 40 : i32
      %dma_start3A_64 = arith.constant 0 : i32
      %dma_start3A_65 = tpu.memref_slice %arg3[%add3A, %dma_start3A_63, %dma_start3A_64] : memref<32x79x128xi32, #tpu.memory_space<hbm>> -> memref<1x39x128xi32, #tpu.memory_space<hbm>>
      %dma_start3A_66 = tpu.memref_squeeze %dma_start3A_65 : memref<1x39x128xi32, #tpu.memory_space<hbm>> -> memref<39x128xi32, #tpu.memory_space<hbm>>
      %dma_start3A_67 = arith.constant 0 : i32
      %dma_start3A_68 = arith.constant 0 : i32
      %dma_start3A_69 = tpu.memref_slice %arg9[%dma_start3A_67, %dma_start3A_68] : memref<40x128xi32, #tpu.memory_space<vmem>> -> memref<39x128xi32, #tpu.memory_space<vmem>>
      %dma_start3A_70 = arith.constant 40 : i32
      %dma_start3A_71 = arith.constant 0 : i32
      %dma_start3A_72 = tpu.memref_slice %arg3[%add3A, %dma_start3A_70, %dma_start3A_71] : memref<32x79x128xi32, #tpu.memory_space<hbm>> -> memref<1x39x128xi32, #tpu.memory_space<hbm>>
      %dma_start3A_73 = tpu.memref_squeeze %dma_start3A_72 : memref<1x39x128xi32, #tpu.memory_space<hbm>> -> memref<39x128xi32, #tpu.memory_space<hbm>>
      tpu.enqueue_dma source(%dma_start3A_73 : memref<39x128xi32, #tpu.memory_space<hbm>>) target(%dma_start3A_69 : memref<39x128xi32, #tpu.memory_space<vmem>>) target_semaphore(%run_scoped3A : memref<!tpu.dma_semaphore, #tpu.memory_space<semaphore_mem>>)
      %dma_wait3A = arith.constant 0 : i32
      %dma_wait3A_74 = arith.constant 0 : i32
      %dma_wait3A_75 = tpu.memref_slice %arg9[%dma_wait3A, %dma_wait3A_74] : memref<40x128xi32, #tpu.memory_space<vmem>> -> memref<39x128xi32, #tpu.memory_space<vmem>>
      %dma_wait3A_76 = arith.constant 40 : i32
      %dma_wait3A_77 = arith.constant 0 : i32
      %dma_wait3A_78 = tpu.memref_slice %arg3[%add3A, %dma_wait3A_76, %dma_wait3A_77] : memref<32x79x128xi32, #tpu.memory_space<hbm>> -> memref<1x39x128xi32, #tpu.memory_space<hbm>>
      %dma_wait3A_79 = tpu.memref_squeeze %dma_wait3A_78 : memref<1x39x128xi32, #tpu.memory_space<hbm>> -> memref<39x128xi32, #tpu.memory_space<hbm>>
      %dma_wait3A_80 = arith.constant 0 : i32
      %dma_wait3A_81 = arith.constant 0 : i32
      %dma_wait3A_82 = tpu.memref_slice %arg9[%dma_wait3A_80, %dma_wait3A_81] : memref<40x128xi32, #tpu.memory_space<vmem>> -> memref<39x128xi32, #tpu.memory_space<vmem>>
      %dma_wait3A_83 = arith.constant 40 : i32
      %dma_wait3A_84 = arith.constant 0 : i32
      %dma_wait3A_85 = tpu.memref_slice %arg3[%add3A, %dma_wait3A_83, %dma_wait3A_84] : memref<32x79x128xi32, #tpu.memory_space<hbm>> -> memref<1x39x128xi32, #tpu.memory_space<hbm>>
      %dma_wait3A_86 = tpu.memref_squeeze %dma_wait3A_85 : memref<1x39x128xi32, #tpu.memory_space<hbm>> -> memref<39x128xi32, #tpu.memory_space<hbm>>
      tpu.wait_dma2 semaphore(%run_scoped3A : memref<!tpu.dma_semaphore, #tpu.memory_space<semaphore_mem>>) src(%dma_wait3A_86 : memref<39x128xi32, #tpu.memory_space<hbm>>) dst(%dma_wait3A_82 : memref<39x128xi32, #tpu.memory_space<vmem>>)
      tpu.yield
    }) : () -> ()
    %dma_start3A_30 = arith.constant 0 : i32
    %dma_start3A_31 = arith.constant 0 : i32
    %dma_start3A_32 = arith.constant 0 : i32
    %dma_start3A_33 = arith.constant 0 : i32
    %dma_start3A_34 = tpu.memref_slice %arg10[%dma_start3A_31, %dma_start3A_32, %dma_start3A_33] : memref<2x128x128xf32, #tpu.memory_space<vmem>> -> memref<1x64x128xf32, #tpu.memory_space<vmem>>
    %dma_start3A_35 = tpu.memref_squeeze %dma_start3A_34 : memref<1x64x128xf32, #tpu.memory_space<vmem>> -> memref<64x128xf32, #tpu.memory_space<vmem>>
    %dma_start3A_36 = arith.constant 0 : i32
    %dma_start3A_37 = tpu.memref_slice %arg8[%dma_start3A_30, %dma_start3A_36] : memref<40x128xi32, #tpu.memory_space<vmem>> -> memref<1x64xi32, #tpu.memory_space<vmem>>
    %dma_start3A_38 = tpu.memref_squeeze %dma_start3A_37 : memref<1x64xi32, #tpu.memory_space<vmem>> -> memref<64xi32, #tpu.memory_space<vmem>>
    %dma_start3A_39 = arith.constant 0 : i32
    %dma_start3A_40 = arith.constant 0 : i32
    %dma_start3A_41 = tpu.memref_slice %arg4[%dma_start3A_39, %dma_start3A_40] : memref<10112x128xf32, #tpu.memory_space<hbm>> -> memref<10112x128xf32, #tpu.memory_space<hbm>>
    tpu.enqueue_indirect_dma source(%dma_start3A_41 : memref<10112x128xf32, #tpu.memory_space<hbm>>) target(%dma_start3A_35 : memref<64x128xf32, #tpu.memory_space<vmem>>) offsets(%dma_start3A_38 : memref<64xi32, #tpu.memory_space<vmem>>) semaphore(%arg11 : memref<!tpu.dma_semaphore, #tpu.memory_space<semaphore_mem>>)
    %dma_start3A_42 = arith.constant 0 : i32
    %dma_start3A_43 = arith.constant 0 : i32
    %dma_start3A_44 = arith.constant 64 : i32
    %dma_start3A_45 = arith.constant 0 : i32
    %dma_start3A_46 = tpu.memref_slice %arg10[%dma_start3A_43, %dma_start3A_44, %dma_start3A_45] : memref<2x128x128xf32, #tpu.memory_space<vmem>> -> memref<1x64x128xf32, #tpu.memory_space<vmem>>
    %dma_start3A_47 = tpu.memref_squeeze %dma_start3A_46 : memref<1x64x128xf32, #tpu.memory_space<vmem>> -> memref<64x128xf32, #tpu.memory_space<vmem>>
    %dma_start3A_48 = arith.constant 64 : i32
    %dma_start3A_49 = tpu.memref_slice %arg8[%dma_start3A_42, %dma_start3A_48] : memref<40x128xi32, #tpu.memory_space<vmem>> -> memref<1x64xi32, #tpu.memory_space<vmem>>
    %dma_start3A_50 = tpu.memref_squeeze %dma_start3A_49 : memref<1x64xi32, #tpu.memory_space<vmem>> -> memref<64xi32, #tpu.memory_space<vmem>>
    %dma_start3A_51 = arith.constant 0 : i32
    %dma_start3A_52 = arith.constant 0 : i32
    %dma_start3A_53 = tpu.memref_slice %arg4[%dma_start3A_51, %dma_start3A_52] : memref<10112x128xf32, #tpu.memory_space<hbm>> -> memref<10112x128xf32, #tpu.memory_space<hbm>>
    tpu.enqueue_indirect_dma source(%dma_start3A_53 : memref<10112x128xf32, #tpu.memory_space<hbm>>) target(%dma_start3A_47 : memref<64x128xf32, #tpu.memory_space<vmem>>) offsets(%dma_start3A_50 : memref<64xi32, #tpu.memory_space<vmem>>) semaphore(%arg11 : memref<!tpu.dma_semaphore, #tpu.memory_space<semaphore_mem>>)
    %scan3A_54 = arith.constant 0 : i32
    %scan3A_55 = arith.constant 39 : i32
    %scan3A_56 = arith.addi %scan3A_54, %scan3A_55 : i32
    %scan3A_57 = arith.constant 1 : i32
    scf.for %scan3A_60 = %scan3A_54 to %scan3A_56 step %scan3A_57  : i32 {
      %rem3A = arith.constant 2 : i32
      %rem3A_61 = arith.remsi %scan3A_60, %rem3A : i32
      %dma_wait3A = arith.constant 0 : i32
      %dma_wait3A_62 = arith.constant 0 : i32
      %dma_wait3A_63 = tpu.memref_slice %arg10[%rem3A_61, %dma_wait3A, %dma_wait3A_62] : memref<2x128x128xf32, #tpu.memory_space<vmem>> -> memref<1x64x128xf32, #tpu.memory_space<vmem>>
      %dma_wait3A_64 = tpu.memref_squeeze %dma_wait3A_63 : memref<1x64x128xf32, #tpu.memory_space<vmem>> -> memref<64x128xf32, #tpu.memory_space<vmem>>
      %dma_wait3A_65 = arith.constant 0 : i32
      %dma_wait3A_66 = tpu.memref_slice %arg8[%scan3A_60, %dma_wait3A_65] : memref<40x128xi32, #tpu.memory_space<vmem>> -> memref<1x64xi32, #tpu.memory_space<vmem>>
      %dma_wait3A_67 = tpu.memref_squeeze %dma_wait3A_66 : memref<1x64xi32, #tpu.memory_space<vmem>> -> memref<64xi32, #tpu.memory_space<vmem>>
      %dma_wait3A_68 = arith.constant 0 : i32
      %dma_wait3A_69 = arith.constant 0 : i32
      %dma_wait3A_70 = tpu.memref_slice %arg4[%dma_wait3A_68, %dma_wait3A_69] : memref<10112x128xf32, #tpu.memory_space<hbm>> -> memref<10112x128xf32, #tpu.memory_space<hbm>>
      tpu.wait_indirect_dma semaphore(%arg11 : memref<!tpu.dma_semaphore, #tpu.memory_space<semaphore_mem>>) src(%dma_wait3A_70 : memref<10112x128xf32, #tpu.memory_space<hbm>>) dst(%dma_wait3A_64 : memref<64x128xf32, #tpu.memory_space<vmem>>)
      %dma_wait3A_71 = arith.constant 64 : i32
      %dma_wait3A_72 = arith.constant 0 : i32
      %dma_wait3A_73 = tpu.memref_slice %arg10[%rem3A_61, %dma_wait3A_71, %dma_wait3A_72] : memref<2x128x128xf32, #tpu.memory_space<vmem>> -> memref<1x64x128xf32, #tpu.memory_space<vmem>>
      %dma_wait3A_74 = tpu.memref_squeeze %dma_wait3A_73 : memref<1x64x128xf32, #tpu.memory_space<vmem>> -> memref<64x128xf32, #tpu.memory_space<vmem>>
      %dma_wait3A_75 = arith.constant 64 : i32
      %dma_wait3A_76 = tpu.memref_slice %arg8[%scan3A_60, %dma_wait3A_75] : memref<40x128xi32, #tpu.memory_space<vmem>> -> memref<1x64xi32, #tpu.memory_space<vmem>>
      %dma_wait3A_77 = tpu.memref_squeeze %dma_wait3A_76 : memref<1x64xi32, #tpu.memory_space<vmem>> -> memref<64xi32, #tpu.memory_space<vmem>>
      %dma_wait3A_78 = arith.constant 0 : i32
      %dma_wait3A_79 = arith.constant 0 : i32
      %dma_wait3A_80 = tpu.memref_slice %arg4[%dma_wait3A_78, %dma_wait3A_79] : memref<10112x128xf32, #tpu.memory_space<hbm>> -> memref<10112x128xf32, #tpu.memory_space<hbm>>
      tpu.wait_indirect_dma semaphore(%arg11 : memref<!tpu.dma_semaphore, #tpu.memory_space<semaphore_mem>>) src(%dma_wait3A_80 : memref<10112x128xf32, #tpu.memory_space<hbm>>) dst(%dma_wait3A_74 : memref<64x128xf32, #tpu.memory_space<vmem>>)
      %lt3A = arith.constant 38 : i32
      %lt3A_81 = arith.cmpi slt, %scan3A_60, %lt3A : i32
      %convert_element_type3A = arith.extui %lt3A_81 : i1 to i32
      %cond3A = arith.constant 0 : i32
      %cond3A_82 = arith.cmpi ne, %convert_element_type3A, %cond3A : i32
      scf.if %cond3A_82 {
        %add3A_83 = arith.constant 1 : i32
        %add3A_84 = arith.addi %scan3A_60, %add3A_83 : i32
        %sub3A = arith.constant 1 : i32
        %sub3A_85 = arith.subi %sub3A, %rem3A_61 : i32
        %dma_start3A_86 = arith.constant 0 : i32
        %dma_start3A_87 = arith.constant 0 : i32
        %dma_start3A_88 = tpu.memref_slice %arg10[%sub3A_85, %dma_start3A_86, %dma_start3A_87] : memref<2x128x128xf32, #tpu.memory_space<vmem>> -> memref<1x64x128xf32, #tpu.memory_space<vmem>>
        %dma_start3A_89 = tpu.memref_squeeze %dma_start3A_88 : memref<1x64x128xf32, #tpu.memory_space<vmem>> -> memref<64x128xf32, #tpu.memory_space<vmem>>
        %dma_start3A_90 = arith.constant 0 : i32
        %dma_start3A_91 = tpu.memref_slice %arg8[%add3A_84, %dma_start3A_90] : memref<40x128xi32, #tpu.memory_space<vmem>> -> memref<1x64xi32, #tpu.memory_space<vmem>>
        %dma_start3A_92 = tpu.memref_squeeze %dma_start3A_91 : memref<1x64xi32, #tpu.memory_space<vmem>> -> memref<64xi32, #tpu.memory_space<vmem>>
        %dma_start3A_93 = arith.constant 0 : i32
        %dma_start3A_94 = arith.constant 0 : i32
        %dma_start3A_95 = tpu.memref_slice %arg4[%dma_start3A_93, %dma_start3A_94] : memref<10112x128xf32, #tpu.memory_space<hbm>> -> memref<10112x128xf32, #tpu.memory_space<hbm>>
        tpu.enqueue_indirect_dma source(%dma_start3A_95 : memref<10112x128xf32, #tpu.memory_space<hbm>>) target(%dma_start3A_89 : memref<64x128xf32, #tpu.memory_space<vmem>>) offsets(%dma_start3A_92 : memref<64xi32, #tpu.memory_space<vmem>>) semaphore(%arg11 : memref<!tpu.dma_semaphore, #tpu.memory_space<semaphore_mem>>)
        %dma_start3A_96 = arith.constant 64 : i32
        %dma_start3A_97 = arith.constant 0 : i32
        %dma_start3A_98 = tpu.memref_slice %arg10[%sub3A_85, %dma_start3A_96, %dma_start3A_97] : memref<2x128x128xf32, #tpu.memory_space<vmem>> -> memref<1x64x128xf32, #tpu.memory_space<vmem>>
        %dma_start3A_99 = tpu.memref_squeeze %dma_start3A_98 : memref<1x64x128xf32, #tpu.memory_space<vmem>> -> memref<64x128xf32, #tpu.memory_space<vmem>>
        %dma_start3A_100 = arith.constant 64 : i32
        %dma_start3A_101 = tpu.memref_slice %arg8[%add3A_84, %dma_start3A_100] : memref<40x128xi32, #tpu.memory_space<vmem>> -> memref<1x64xi32, #tpu.memory_space<vmem>>
        %dma_start3A_102 = tpu.memref_squeeze %dma_start3A_101 : memref<1x64xi32, #tpu.memory_space<vmem>> -> memref<64xi32, #tpu.memory_space<vmem>>
        %dma_start3A_103 = arith.constant 0 : i32
        %dma_start3A_104 = arith.constant 0 : i32
        %dma_start3A_105 = tpu.memref_slice %arg4[%dma_start3A_103, %dma_start3A_104] : memref<10112x128xf32, #tpu.memory_space<hbm>> -> memref<10112x128xf32, #tpu.memory_space<hbm>>
        tpu.enqueue_indirect_dma source(%dma_start3A_105 : memref<10112x128xf32, #tpu.memory_space<hbm>>) target(%dma_start3A_99 : memref<64x128xf32, #tpu.memory_space<vmem>>) offsets(%dma_start3A_102 : memref<64xi32, #tpu.memory_space<vmem>>) semaphore(%arg11 : memref<!tpu.dma_semaphore, #tpu.memory_space<semaphore_mem>>)
      } else {
      }
      "tpu.region"() ({
        %run_scoped3A = tpu.sem_alloc : memref<!tpu.dma_semaphore, #tpu.memory_space<semaphore_mem>>
        %dma_start3A_83 = arith.constant 0 : i32
        %dma_start3A_84 = arith.constant 0 : i32
        %dma_start3A_85 = tpu.memref_slice %arg10[%rem3A_61, %dma_start3A_83, %dma_start3A_84] : memref<2x128x128xf32, #tpu.memory_space<vmem>> -> memref<1x128x128xf32, #tpu.memory_space<vmem>>
        %dma_start3A_86 = tpu.memref_squeeze %dma_start3A_85 : memref<1x128x128xf32, #tpu.memory_space<vmem>> -> memref<128x128xf32, #tpu.memory_space<vmem>>
        %dma_start3A_87 = arith.constant 0 : i32
        %dma_start3A_88 = tpu.memref_slice %arg9[%scan3A_60, %dma_start3A_87] : memref<40x128xi32, #tpu.memory_space<vmem>> -> memref<1x128xi32, #tpu.memory_space<vmem>>
        %dma_start3A_89 = tpu.memref_squeeze %dma_start3A_88 : memref<1x128xi32, #tpu.memory_space<vmem>> -> memref<128xi32, #tpu.memory_space<vmem>>
        %dma_start3A_90 = arith.constant 0 : i32
        %dma_start3A_91 = arith.constant 0 : i32
        %dma_start3A_92 = tpu.memref_slice %arg7[%dma_start3A_90, %dma_start3A_91] : memref<10112x128xf32, #tpu.memory_space<vmem_shared>> -> memref<10112x128xf32, #tpu.memory_space<vmem_shared>>
        tpu.enqueue_indirect_dma source(%dma_start3A_86 : memref<128x128xf32, #tpu.memory_space<vmem>>) target(%dma_start3A_92 : memref<10112x128xf32, #tpu.memory_space<vmem_shared>>) offsets(%dma_start3A_89 : memref<128xi32, #tpu.memory_space<vmem>>) semaphore(%run_scoped3A : memref<!tpu.dma_semaphore, #tpu.memory_space<semaphore_mem>>) {add = true}
        %dma_wait3A_93 = arith.constant 0 : i32
        %dma_wait3A_94 = arith.constant 0 : i32
        %dma_wait3A_95 = tpu.memref_slice %arg10[%rem3A_61, %dma_wait3A_93, %dma_wait3A_94] : memref<2x128x128xf32, #tpu.memory_space<vmem>> -> memref<1x128x128xf32, #tpu.memory_space<vmem>>
        %dma_wait3A_96 = tpu.memref_squeeze %dma_wait3A_95 : memref<1x128x128xf32, #tpu.memory_space<vmem>> -> memref<128x128xf32, #tpu.memory_space<vmem>>
        %dma_wait3A_97 = arith.constant 0 : i32
        %dma_wait3A_98 = tpu.memref_slice %arg9[%scan3A_60, %dma_wait3A_97] : memref<40x128xi32, #tpu.memory_space<vmem>> -> memref<1x128xi32, #tpu.memory_space<vmem>>
        %dma_wait3A_99 = tpu.memref_squeeze %dma_wait3A_98 : memref<1x128xi32, #tpu.memory_space<vmem>> -> memref<128xi32, #tpu.memory_space<vmem>>
        %dma_wait3A_100 = arith.constant 0 : i32
        %dma_wait3A_101 = arith.constant 0 : i32
        %dma_wait3A_102 = tpu.memref_slice %arg7[%dma_wait3A_100, %dma_wait3A_101] : memref<10112x128xf32, #tpu.memory_space<vmem_shared>> -> memref<10112x128xf32, #tpu.memory_space<vmem_shared>>
        tpu.wait_indirect_dma semaphore(%run_scoped3A : memref<!tpu.dma_semaphore, #tpu.memory_space<semaphore_mem>>) src(%dma_wait3A_96 : memref<128x128xf32, #tpu.memory_space<vmem>>) dst(%dma_wait3A_102 : memref<10112x128xf32, #tpu.memory_space<vmem_shared>>)
        tpu.yield
      }) : () -> ()
    }
    %scan3A_58 = arith.constant 39 : i32
    %barrier3A_59 = arith.constant 0 : index
    tpu.barrier barrier_id(%barrier3A_59)
    "tpu.region"() ({
      %run_scoped3A = tpu.sem_alloc : memref<!tpu.dma_semaphore, #tpu.memory_space<semaphore_mem>>
      %dma_start3A_60 = arith.constant 0 : i32
      %dma_start3A_61 = tpu.memref_slice %arg6[%arg0, %mul3A_2, %dma_start3A_60] : memref<2x10112x128xf32, #tpu.memory_space<hbm>> -> memref<1x632x128xf32, #tpu.memory_space<hbm>>
      %dma_start3A_62 = tpu.memref_squeeze %dma_start3A_61 : memref<1x632x128xf32, #tpu.memory_space<hbm>> -> memref<632x128xf32, #tpu.memory_space<hbm>>
      %dma_start3A_63 = arith.constant 0 : i32
      %dma_start3A_64 = tpu.memref_slice %arg7[%mul3A_2, %dma_start3A_63] : memref<10112x128xf32, #tpu.memory_space<vmem_shared>> -> memref<632x128xf32, #tpu.memory_space<vmem_shared>>
      tpu.enqueue_dma source(%dma_start3A_64 : memref<632x128xf32, #tpu.memory_space<vmem_shared>>) target(%dma_start3A_62 : memref<632x128xf32, #tpu.memory_space<hbm>>) target_semaphore(%run_scoped3A : memref<!tpu.dma_semaphore, #tpu.memory_space<semaphore_mem>>)
      %dma_wait3A = arith.constant 0 : i32
      %dma_wait3A_65 = tpu.memref_slice %arg6[%arg0, %mul3A_2, %dma_wait3A] : memref<2x10112x128xf32, #tpu.memory_space<hbm>> -> memref<1x632x128xf32, #tpu.memory_space<hbm>>
      %dma_wait3A_66 = tpu.memref_squeeze %dma_wait3A_65 : memref<1x632x128xf32, #tpu.memory_space<hbm>> -> memref<632x128xf32, #tpu.memory_space<hbm>>
      %dma_wait3A_67 = arith.constant 0 : i32
      %dma_wait3A_68 = tpu.memref_slice %arg7[%mul3A_2, %dma_wait3A_67] : memref<10112x128xf32, #tpu.memory_space<vmem_shared>> -> memref<632x128xf32, #tpu.memory_space<vmem_shared>>
      tpu.wait_dma2 semaphore(%run_scoped3A : memref<!tpu.dma_semaphore, #tpu.memory_space<semaphore_mem>>) src(%dma_wait3A_68 : memref<632x128xf32, #tpu.memory_space<vmem_shared>>) dst(%dma_wait3A_66 : memref<632x128xf32, #tpu.memory_space<hbm>>)
      tpu.yield
    }) : () -> ()
    return
  }
}

module attributes {stable_mosaic.version = 14 : i64} {
  func.func @_prescale_body(%arg0: memref<2x10112x128xf32, #tpu.memory_space<vmem>>, %arg1: memref<10112x128xf32, #tpu.memory_space<vmem>>, %arg2: memref<10112x128xf32, #tpu.memory_space<vmem>>) attributes {dimension_semantics = [], scalar_prefetch = 0 : i64, scratch_operands = 0 : i64, tpu.core_type = #tpu.core_type<tc>} {
    %get3A = arith.constant 0 : index
    %get3A_0 = arith.constant 0 : index
    %get3A_1 = arith.constant 0 : index
    %get3A_2 = vector.load %arg0[%get3A, %get3A_0, %get3A_1] : memref<2x10112x128xf32, #tpu.memory_space<vmem>>, vector<1x10112x1xf32>
    %get3A_3 = vector.shape_cast %get3A_2 : vector<1x10112x1xf32> to vector<10112x1xf32>
    %get3A_4 = arith.constant 1 : index
    %get3A_5 = arith.constant 0 : index
    %get3A_6 = arith.constant 0 : index
    %get3A_7 = vector.load %arg0[%get3A_4, %get3A_5, %get3A_6] : memref<2x10112x128xf32, #tpu.memory_space<vmem>>, vector<1x10112x1xf32>
    %get3A_8 = vector.shape_cast %get3A_7 : vector<1x10112x1xf32> to vector<10112x1xf32>
    %add3A = arith.addf %get3A_3, %get3A_8 : vector<10112x1xf32>
    %add3A_9 = arith.constant 1.000000e+00 : f32
    %add3A_10 = vector.broadcast %add3A_9 : f32 to vector<10112x1xf32>
    %add3A_11 = arith.addf %add3A, %add3A_10 : vector<10112x1xf32>
    %rsqrt3A = math.rsqrt %add3A_11 : vector<10112x1xf32>
    %get3A_12 = arith.constant 0 : index
    %get3A_13 = arith.constant 0 : index
    %get3A_14 = vector.load %arg1[%get3A_12, %get3A_13] : memref<10112x128xf32, #tpu.memory_space<vmem>>, vector<10112x128xf32>
    %mul3A = vector.broadcast %rsqrt3A : vector<10112x1xf32> to vector<10112x128xf32>
    %mul3A_15 = arith.mulf %mul3A, %get3A_14 : vector<10112x128xf32>
    %swap3A = arith.constant 0 : index
    %swap3A_16 = arith.constant 0 : index
    %swap3A_17 = vector.load %arg2[%swap3A, %swap3A_16] : memref<10112x128xf32, #tpu.memory_space<vmem>>, vector<10112x128xf32>
    tpu.vector_store %arg2[%swap3A, %swap3A_16], %mul3A_15 {strides = array<i32>} : memref<10112x128xf32, #tpu.memory_space<vmem>>, vector<10112x128xf32>,
    return
  }
}

module attributes {stable_mosaic.version = 14 : i64} {
  func.func @_final_body(%arg0: i32, %arg1: memref<2x1000x128xf32, #tpu.memory_space<vmem>>, %arg2: memref<2x1000x128xf32, #tpu.memory_space<vmem>>, %arg3: memref<1000x128xf32, #tpu.memory_space<vmem>>, %arg4: memref<128x128xf32, #tpu.memory_space<vmem>>, %arg5: memref<1x128xf32, #tpu.memory_space<vmem>>, %arg6: memref<1000x128xf32, #tpu.memory_space<vmem>>) attributes {dimension_semantics = [#tpu.dimension_semantics<arbitrary>], iteration_bounds = array<i64: 10>, scalar_prefetch = 0 : i64, scratch_operands = 0 : i64, tpu.core_type = #tpu.core_type<tc>, window_params = [{transform_indices = @transform_0, window_bounds = array<i64: 2, 1000, 128>}, {transform_indices = @transform_1, window_bounds = array<i64: 2, 1000, 128>}, {transform_indices = @transform_2, window_bounds = array<i64: 1000, 128>}, {pipeline_mode = #tpu.pipeline_mode<synchronous>, transform_indices = @transform_3, window_bounds = array<i64: 128, 128>}, {pipeline_mode = #tpu.pipeline_mode<synchronous>, transform_indices = @transform_4, window_bounds = array<i64: 1, 128>}, {transform_indices = @transform_5, window_bounds = array<i64: 1000, 128>}]} {
    %get3A = arith.constant 0 : index
    %get3A_0 = arith.constant 0 : index
    %get3A_1 = arith.constant 0 : index
    %get3A_2 = vector.load %arg1[%get3A, %get3A_0, %get3A_1] : memref<2x1000x128xf32, #tpu.memory_space<vmem>>, vector<1x1000x1xf32>
    %get3A_3 = vector.shape_cast %get3A_2 : vector<1x1000x1xf32> to vector<1000x1xf32>
    %get3A_4 = arith.constant 1 : index
    %get3A_5 = arith.constant 0 : index
    %get3A_6 = arith.constant 0 : index
    %get3A_7 = vector.load %arg1[%get3A_4, %get3A_5, %get3A_6] : memref<2x1000x128xf32, #tpu.memory_space<vmem>>, vector<1x1000x1xf32>
    %get3A_8 = vector.shape_cast %get3A_7 : vector<1x1000x1xf32> to vector<1000x1xf32>
    %add3A = arith.addf %get3A_3, %get3A_8 : vector<1000x1xf32>
    %add3A_9 = arith.constant 1.000000e+00 : f32
    %add3A_10 = vector.broadcast %add3A_9 : f32 to vector<1000x1xf32>
    %add3A_11 = arith.addf %add3A, %add3A_10 : vector<1000x1xf32>
    %rsqrt3A = math.rsqrt %add3A_11 : vector<1000x1xf32>
    %get3A_12 = arith.constant 0 : index
    %get3A_13 = arith.constant 0 : index
    %get3A_14 = arith.constant 0 : index
    %get3A_15 = vector.load %arg2[%get3A_12, %get3A_13, %get3A_14] : memref<2x1000x128xf32, #tpu.memory_space<vmem>>, vector<1x1000x128xf32>
    %get3A_16 = vector.shape_cast %get3A_15 : vector<1x1000x128xf32> to vector<1000x128xf32>
    %get3A_17 = arith.constant 1 : index
    %get3A_18 = arith.constant 0 : index
    %get3A_19 = arith.constant 0 : index
    %get3A_20 = vector.load %arg2[%get3A_17, %get3A_18, %get3A_19] : memref<2x1000x128xf32, #tpu.memory_space<vmem>>, vector<1x1000x128xf32>
    %get3A_21 = vector.shape_cast %get3A_20 : vector<1x1000x128xf32> to vector<1000x128xf32>
    %add3A_22 = arith.addf %get3A_16, %get3A_21 : vector<1000x128xf32>
    %get3A_23 = arith.constant 0 : index
    %get3A_24 = arith.constant 0 : index
    %get3A_25 = vector.load %arg3[%get3A_23, %get3A_24] : memref<1000x128xf32, #tpu.memory_space<vmem>>, vector<1000x128xf32>
    %mul3A = vector.broadcast %rsqrt3A : vector<1000x1xf32> to vector<1000x128xf32>
    %mul3A_26 = arith.mulf %mul3A, %get3A_25 : vector<1000x128xf32>
    %add3A_27 = arith.addf %add3A_22, %mul3A_26 : vector<1000x128xf32>
    %mul3A_28 = vector.broadcast %rsqrt3A : vector<1000x1xf32> to vector<1000x128xf32>
    %mul3A_29 = arith.mulf %mul3A_28, %add3A_27 : vector<1000x128xf32>
    %get3A_30 = arith.constant 0 : index
    %get3A_31 = arith.constant 0 : index
    %get3A_32 = vector.load %arg4[%get3A_30, %get3A_31] : memref<128x128xf32, #tpu.memory_space<vmem>>, vector<128x128xf32>
    %dot_general3A = arith.constant dense<0.000000e+00> : vector<1000x128xf32>
    %dot_general3A_33 = tpu.matmul %mul3A_29, %get3A_32, %dot_general3A {dimension_numbers = #tpu.dot_dimension_numbers<[1], [1], [0], [0], [0, 0, 1, 0], [], []>, transpose_lhs_hint = false} : vector<1000x128xf32>, vector<128x128xf32>, vector<1000x128xf32> -> vector<1000x128xf32>
    %get3A_34 = arith.constant 0 : index
    %get3A_35 = arith.constant 0 : index
    %get3A_36 = vector.load %arg5[%get3A_34, %get3A_35] : memref<1x128xf32, #tpu.memory_space<vmem>>, vector<1x128xf32>
    %add3A_37 = vector.broadcast %get3A_36 : vector<1x128xf32> to vector<1000x128xf32>
    %add3A_38 = arith.addf %dot_general3A_33, %add3A_37 : vector<1000x128xf32>
    %swap3A = arith.constant 0 : index
    %swap3A_39 = arith.constant 0 : index
    %swap3A_40 = vector.load %arg6[%swap3A, %swap3A_39] : memref<1000x128xf32, #tpu.memory_space<vmem>>, vector<1000x128xf32>
    tpu.vector_store %arg6[%swap3A, %swap3A_39], %add3A_38 {strides = array<i32>} : memref<1000x128xf32, #tpu.memory_space<vmem>>, vector<1000x128xf32>,
    return
  }
  func.func @transform_0(%arg0: i32) -> (i32, i32, i32) {
    %c0_i32 = arith.constant 0 : i32
    %c0_i32_0 = arith.constant 0 : i32
    %c0_i32_1 = arith.constant 0 : i32
    return %c0_i32, %arg0, %c0_i32_0 : i32, i32, i32
  }
  func.func @transform_1(%arg0: i32) -> (i32, i32, i32) {
    %c0_i32 = arith.constant 0 : i32
    %c0_i32_0 = arith.constant 0 : i32
    %c0_i32_1 = arith.constant 0 : i32
    return %c0_i32, %arg0, %c0_i32_0 : i32, i32, i32
  }
  func.func @transform_2(%arg0: i32) -> (i32, i32) {
    %c0_i32 = arith.constant 0 : i32
    %c0_i32_0 = arith.constant 0 : i32
    return %arg0, %c0_i32 : i32, i32
  }
  func.func @transform_3(%arg0: i32) -> (i32, i32) {
    %c0_i32 = arith.constant 0 : i32
    %c0_i32_0 = arith.constant 0 : i32
    %c0_i32_1 = arith.constant 0 : i32
    return %c0_i32, %c0_i32_0 : i32, i32
  }
  func.func @transform_4(%arg0: i32) -> (i32, i32) {
    %c0_i32 = arith.constant 0 : i32
    %c0_i32_0 = arith.constant 0 : i32
    %c0_i32_1 = arith.constant 0 : i32
    return %c0_i32, %c0_i32_0 : i32, i32
  }
  func.func @transform_5(%arg0: i32) -> (i32, i32) {
    %c0_i32 = arith.constant 0 : i32
    %c0_i32_0 = arith.constant 0 : i32
    return %arg0, %c0_i32 : i32, i32
  }
}

</mosaic_0001>

<sc_bundles>
// kernel: kernel.6.cloned.1.call-start
scs
__scs_entry_jumppad:
0x0: {  	(pc) =	sbr.rel $0x88, $3  }
0x1: {  	(tag) =	ssettag $0x0;
	lr =	simm.s32 $0x1  }
0x2: {  	[smem:$0x3F9D] =	sst lr;
	_ =	strace $0xD0000000  }
0x3: {  	_ = 	snop  }
0x4: {  	_ = 	snop  }
0x5: {  	_ = 	snop  }
0x6: {  	_ = 	snop  }
0x7: {  	_ = 	snop  }
__scs_overlays_trampoline_lowered:
0x8: {  	[smem:$0x3FAC] =	sst s0  }
0x9: {  	[smem:$0x3FAD] =	sst s1  }
0xa: {  	[smem:$0x3FAE] =	sst s2  }
0xb: {  	[smem:$0x3FAF] =	sst s3  }
0xc: {  	[smem:$0x3FB0] =	sst s4  }
0xd: {  	[smem:$0x3FB1] =	sst s5  }
0xe: {  	[smem:$0x3FB2] =	sst s6  }
0xf: {  	[smem:$0x3FB3] =	sst s7  }
0x10: {  	[smem:$0x3FB4] =	sst s8  }
0x11: {  	[smem:$0x3FB5] =	sst s9;
	s0 =	simm.s32 @!p0 $0x0  }
0x12: {  	s1 =	sld [smem:$0x3F9B];
	s0 =	simm.s32 @p0 $0x1  }
0x13: {  	[smem:$0x3FB6] =	sst s0;
	s0 =	simm.s32 @!p1 $0x0  }
0x14: {  	s2 =	sld [smem:$0x3F9A];
	s0 =	simm.s32 @p1 $0x1  }
0x15: {  	[smem:$0x3FB7] =	sst s0;
	s0 =	simm.s32 @!p2 $0x0  }
0x16: {  	s3 =	sld [smem:$0x3FDB];
	s0 =	simm.s32 @p2 $0x1  }
0x17: {  	s4 =	simm.s32 $0x1BF5;
	[smem:$0x3FB9] =	sst s0  }
0x18: {  	s0 =	sld [smem:$0x3F9C];
	_ =	swait.ge [sflag:s4], $0x0  }
0x19: {  	s7 =	sld [smem:$0x3F9D]  }
0x1a: {  	s8 =	sadd.s32 $0xFFFFE003, lr  }
0x1b: {  	s9 =	sadd.s32 $0xFFFFFEF7, lr;
	s5 =	simm.s32 $0xFFFFFFFF;
	p2 =	slt.u32 s8, $0xFFFFF086  }
0x1c: {  	p1 =	slt.u32 s9, $0xF7A;
	s5 =	simm.s32 @!p2 $0x0  }
0x1d: {  	s5 =	simm.s32 @p1 $0x1;
	p0 =	seq.s32 s7, s2  }
0x1e: {  	s7 =	smul.u32 @!p0 $0xF7A, s2;
	p2 =	seq.s32 @!p0 s5, $0x0  }
0x1f: {  	s9 =	smul.u32 $0xF7A, s1;
	s8 =	simm.s32 @!p0 $0x1BF5;
	p2 =	por !p2, p0  }
0x20: {  	[sflag:s8] =	ssyncset.s32 @!p0 $0xFFFFF086;
	s6 =	sadd.s32 @!p0 s3, s7;
	s7 =	simm.s32 @!p0 $0x108  }
0x21: {  	s3 =	sadd.s32 s3, s9;
	s6 =	sadd.s32 @!p0 $0x88, s6;
	s7 =	simm.s32 @p2 $0x1082  }
0x22: {  	[simem:s7], [sflag:s8] =	dma.local @!p0 [hbm:s6], $0xF7A  }
0x23: {  	s9 =	sor.u32 $0xD0000000, s2;
	s6 =	simm.s32 $0x108;
	_ =	swait.ge @!p0 [sflag:s8], $0x0  }
0x24: {  	s3 =	sadd.s32 $0x88, s3;
	s6 =	simm.s32 @!p1 $0x1082;
	[sflag:s4] =	ssyncset.s32 $0xFFFFF086  }
0x25: {  	[simem:s6], [sflag:s4] =	dma.local [hbm:s3], $0xF7A  }
0x26: {  	[smem:$0x3F9D] =	sst s1;
	(tag) =	ssettag s2;
	_ =	strace s9  }
0x27: {  	s1 =	sld [smem:$0x3FAD]  }
0x28: {  	s2 =	sld [smem:$0x3FAE]  }
0x29: {  	s4 =	sld [smem:$0x3FB0]  }
0x2a: {  	p0 =	seq.s32 s5, $0x0;
	s5 =	sld [smem:$0x3FB1]  }
0x2b: {  	s6 =	sld [smem:$0x3FB2]  }
0x2c: {  	s7 =	sld [smem:$0x3FB3]  }
0x2d: {  	s3 =	simm.s32 $0x108;
	s8 =	sld [smem:$0x3FB4]  }
0x2e: {  	s3 =	simm.s32 @!p0 $0x1082;
	s9 =	sld [smem:$0x3FB5]  }
0x2f: {  	lr =	sadd.s32 s0, s3;
	s0 =	sld [smem:$0x3FAC]  }
0x30: {  	s3 =	sld [smem:$0x3FAF]  }
0x31: {  	[smem:$0x3FB8] =	sst s10  }
0x32: {  	s10 =	sld [smem:$0x3FB6];
	_ =	sdelay $0x3  }
0x33: {  	p0 =	seq.s32 s10, $0x1;
	s10 =	sld [smem:$0x3FB8];
	_ =	sdelay $0x3  }
0x34: {  	[smem:$0x3FB8] =	sst s10  }
0x35: {  	s10 =	sld [smem:$0x3FB7];
	_ =	sdelay $0x3  }
0x36: {  	p1 =	seq.s32 s10, $0x1;
	s10 =	sld [smem:$0x3FB8];
	_ =	sdelay $0x3  }
0x37: {  	[smem:$0x3FB8] =	sst s10  }
0x38: {  	s10 =	sld [smem:$0x3FB9]  }
0x39: {  	_ = 	snop;
	(pc) =	sbr.ind lr, $3  }
0x3a: {  	_ = 	snop  }
0x3b: {  	_ = 	snop  }
0x3c: {  	p2 =	seq.s32 s10, $0x1;
	s10 =	sld [smem:$0x3FB8]  }
0x3d: {  	_ =	shalt  }
0x3e: {  	_ =	shalt  }
0x3f: {  	_ =	shalt  }
0x40: {  	_ =	shalt  }
0x41: {  	_ =	shalt  }
0x42: {  	_ =	shalt  }
0x43: {  	_ =	shalt  }
0x44: {  	_ =	shalt  }
0x45: {  	_ =	shalt  }
0x46: {  	_ =	shalt  }
0x47: {  	_ =	shalt  }
0x48: {  	_ =	shalt  }
0x49: {  	_ =	shalt  }
0x4a: {  	_ =	shalt  }
0x4b: {  	_ =	shalt  }
0x4c: {  	_ =	shalt  }
0x4d: {  	_ =	shalt  }
0x4e: {  	_ =	shalt  }
0x4f: {  	_ =	shalt  }
0x50: {  	_ =	shalt  }
0x51: {  	_ =	shalt  }
0x52: {  	_ =	shalt  }
0x53: {  	_ =	shalt  }
0x54: {  	_ =	shalt  }
0x55: {  	_ =	shalt  }
0x56: {  	_ =	shalt  }
0x57: {  	_ =	shalt  }
0x58: {  	_ =	shalt  }
0x59: {  	_ =	shalt  }
0x5a: {  	_ =	shalt  }
0x5b: {  	_ =	shalt  }
0x5c: {  	_ =	shalt  }
0x5d: {  	_ =	shalt  }
0x5e: {  	_ =	shalt  }
0x5f: {  	_ =	shalt  }
0x60: {  	_ =	shalt  }
0x61: {  	_ =	shalt  }
0x62: {  	_ =	shalt  }
0x63: {  	_ =	shalt  }
0x64: {  	_ =	shalt  }
0x65: {  	_ =	shalt  }
0x66: {  	_ =	shalt  }
0x67: {  	_ =	shalt  }
0x68: {  	_ =	shalt  }
0x69: {  	_ =	shalt  }
0x6a: {  	_ =	shalt  }
0x6b: {  	_ =	shalt  }
0x6c: {  	_ =	shalt  }
0x6d: {  	_ =	shalt  }
0x6e: {  	_ =	shalt  }
0x6f: {  	_ =	shalt  }
0x70: {  	_ =	shalt  }
0x71: {  	_ =	shalt  }
0x72: {  	_ =	shalt  }
0x73: {  	_ =	shalt  }
0x74: {  	_ =	shalt  }
0x75: {  	_ =	shalt  }
0x76: {  	_ =	shalt  }
0x77: {  	_ =	shalt  }
0x78: {  	_ =	shalt  }
0x79: {  	_ =	shalt  }
0x7a: {  	_ =	shalt  }
0x7b: {  	_ =	shalt  }
0x7c: {  	_ =	shalt  }
0x7d: {  	_ =	shalt  }
0x7e: {  	_ =	shalt  }
0x7f: {  	_ =	shalt  }
0x80: {  	_ =	shalt  }
0x81: {  	_ =	shalt  }
0x82: {  	_ =	shalt  }
0x83: {  	_ =	shalt  }
0x84: {  	_ =	shalt  }
0x85: {  	_ =	shalt  }
0x86: {  	_ =	shalt  }
0x87: {  	_ =	shalt  }
.Lfunc_end0:
.L_simem_size_0:
called_computation_lowered:
.L_overlay_start_0:
0x88: {  	s2 =	sld [smem:$0x3FD9]  }
0x89: {  	s3 =	sld [smem:$0x3FFE];
	_ =	sdelay $0x1  }
0x8a: {  	s1 =	srdreg.scid  }
0x8b: {  	s0 =	sand.u32 $0x1, s1  }
0x8c: {  	s17 =	sshll.u32 s0, $0xA;
	s2 =	sadd.s32 s3, s2  }
0x8d: {  	s2 =	sadd.s32 s2, s17  }
0x8e: {  	[smem:$0x3FC4] =	sst s2  }
0x8f: {  	_ = 	snop  }
0x90: {  	s2 =	sld [smem:$0x3FD0];
	(tm) =	ssettm $0x1  }
0x91: {  	s18 =	sld [smem:$0x3FFB];
	_ =	sdelay $0x3  }
0x92: {  	_ =	strace s18  }
0x93: {  	s3 =	sld [smem:$0x3FFC];
	_ =	sdelay $0x3  }
0x94: {  	_ =	strace s3  }
0x95: {  	s3 =	sld [smem:$0x3FFD];
	_ =	sdelay $0x3  }
0x96: {  	_ =	strace s3  }
0x97: {  	_ =	strace $0x8FFFFFFF  }
0x98: {  	s19 =	sld [smem:$0x3FDB];
	_ =	sdelay $0x1  }
0x99: {  	s4 =	simm.s32 $_scs_section_size  }
0x9a: {  	s5 =	simm.s32 $_size__tile_overlayer_lowered;
	s6 =	simm.s32 $_tile_overlayer_lowered  }
0x9b: {  	s22 =	simm.s32 $0x1BFF;
	s21 =	sshll.u32 s6, $0x1;
	s3 =	sadd.s32 s4, s19  }
0x9c: {  	s7 =	simm.s32 $0x0;
	s20 =	sshll.u32 s5, $0x1;
	s5 =	sadd.s32 s21, s3  }
0x9d: {  	[timem:s7], [sflag:s22] =	dma.local [hbm:s5], s20  }
0x9e: {  	_ =	swait.ge [sflag:s22], s20  }
0x9f: {  	s4 =	ssub.s32 $0x0, s20;
	[sflag:s22] =	ssyncset.done $0x0  }
0xa0: {  	[sflag:s22] =	ssyncadd.s32 s4;
	_ =	sdelay $0x1  }
0xa1: {  	s23 =	simm.s32 $0x1B8B  }
0xa2: {  	_ =	swait.ge [sflag:s23], $0x1  }
0xa3: {  	[sflag:s23] =	ssyncset.done $0x0  }
0xa4: {  	s25 =	simm.s32 $0x1B8E;
	s24 =	sld [smem:$0x3FFE];
	[sflag:s23] =	ssyncadd.s32 $0xFFFFFFFF  }
0xa5: {  	s26 =	simm.s32 $execute0_lowered;
	[smem:$0x3FD2] =	sst s25  }
0xa6: {  	s5 =	sshll.u32 s26, $0x1;
	_ =	strace $0x80000046;
	[dreg:$0x1] =	wrdreg $0xFFFFFFFF  }
0xa7: {  	s28 =	simm.s32 $_size_execute0_lowered;
	s3 =	sadd.s32 s3, s5;
	[dreg:$0x0] =	wrdreg $0x0  }
0xa8: {  	s5 =	sshll.u32 s28, $0x1;
	[dreg:$0x2] =	wrdreg s3  }
0xa9: {  	[dreg:$0x3] =	wrdreg s5  }
0xaa: {  	[dreg:$0x4] =	wrdreg $0xC0  }
0xab: {  	_ =	task [dreg:s7], $0x5FFFF  }
0xac: {  	[dreg:$0x1] =	wrdreg $0xFFFFFFFF  }
0xad: {  	[dreg:$0x0] =	wrdreg $0x60  }
0xae: {  	[dreg:$0x2] =	wrdreg s2  }
0xaf: {  	[dreg:$0x3] =	wrdreg s24  }
0xb0: {  	[dreg:$0x4] =	wrdreg $0x0  }
0xb1: {  	[dreg:$0x5] =	wrdreg $0x9  }
0xb2: {  	_ =	task.clear_ibuf [dreg:s7], $0x6FFFF;
	_ =	strace $0x90000046  }
0xb3: {  	s29 =	simm.s32 $0x9;
	_ =	strace $0x80000048  }
0xb4: {  	_ =	swait.ge [sflag:s29], $0x1  }
0xb5: {  	[sflag:s29] =	ssyncadd.s32 $0xFFFFFFFF  }
0xb6: {  	_ =	strace $0x90000048  }
0xb7: {  	_ =	sfence  }
0xb8: {  	s30 =	sld [smem:$0x0];
	_ =	sdelay $0x2  }
0xb9: {  	s31 =	sshll.u32 s1, $0xD;
	s1 =	sshrl.u32 s1, $0x2  }
0xba: {  	s3 =	sand.u32 $0x4000, s31;
	s1 =	sadd.s32 s1, s30  }
0xbb: {  	s0 =	sor.u32 s3, s0;
	s1 =	sshll.u32 s1, $0x11  }
0xbc: {  	s0 =	sor.u32 s1, s0  }
0xbd: {  	s0 =	sadd.s32 $0x8F2B, s0  }
0xbe: {  	[sflag:s0] =	ssyncadd.remote.s32 $0x1  }
0xbf: {  	_ =	sfence.sel $0xFFFF  }
0xc0: {  	[dreg:$0x0] =	wrdreg $0xFFFFFFFF;
	(pc) =	sbr.abs _section_cstart, $3  }
0xc1: {  	[dreg:$0x1] =	wrdreg $0xFFFFFFFF  }
0xc2: {  	_ =	task.clear_ibuf [dreg:s7], $0x2FFFF;
	_ =	strace $0x9FFFFFFF  }
0xc3: {  	(tm) =	ssettm $0x7FFFFFFF  }
tec
execute0_lowered:
.L_overlay_start_1:
0x0: {  	(tag) =	ssettag $0x1  }
0x1: {  	s7 =	rddreg [dreg:$0x0]  }
0x2: {  	s5 =	rddreg [dreg:$0x1];
	s0 =	stileid.u32  }
0x3: {  	s1 =	srdreg.scid;
	s2 =	rddreg [dreg:$0x2];
	s3 =	simm.s32 $0x0  }
0x4: {  	s14 =	simm.s32 $0x80;
	s6 =	sand.u32 $0x1, s1;
	s1 =	rddreg [dreg:$0x3]  }
0x5: {  	s15 =	simm.s32 $0x0;
	s4 =	smul.u32 $0x13C00, s0;
	[smem:$0x7FF] =	sst s3  }
0x6: {  	s12 =	smul.u32 $0x4F000, s0;
	s13 =	sshll.u32 s0, $0x1;
	s29 =	sshll.u32 s0, $0x6  }
0x7: {  	s8 =	smul.u32 $0x13C000, s6;
	_ =	strace $0x80000047;
	s10 =	ssub.s32 $0x2, s6  }
0x8: {  	s26 =	sor.u32 s6, s13;
	s6 =	sor.u32 $0x1C01, s29;
	s13 =	simm.s32 $0x13C00  }
0x9: {  	s9 =	sshrl.u32 s4, $0x3;
	s11 =	sshrl.u32 s10, $0x1;
	s28 =	sshrl.u32 s12, $0x2  }
0xa: {  	s30 =	smul.u32 $0x500, s26;
	s12 =	simm.s32 $0x16400;
	s9 =	sadd.s32 s9, s5  }
0xb: {  	s8 =	sadd.s32 s4, s8;
	s4 =	sadd.s32 $0xC00, s5;
	s10 =	ssub.s32 s10, s11  }
0xc: {  	s31 =	sadd.s32 s28, s2;
	s11 =	simm.s32 $0x1;
	s8 =	sshrl.u32 s8, $0x3  }
0xd: {  	s7 =	sadd.s32 s7, s30;
	s8 =	sadd.s32 s8, s5;
	s5 =	sadd.s32 $0x1400, s9  }
0xe: {  	s9 =	smax.u32 s10, $0x1;
	s10 =	sshrl.u32 s31, $0x3;
	s8 =	sadd.s32 $0x28C00, s8  }
.LBB2_1:
0xf: {  	[spmem:s10], [sflag:s6] =	dma.local [hbm:s5], $0x2780  }
0x10: {  	_ =	swait.ge [sflag:s11], $0x2780  }
0x11: {  	[sflag:s11] =	ssyncset.done $0x0  }
0x12: {  	[sflag:s11] =	ssyncadd.s32 $0xFFFFD880  }
0x13: {  	[tilespmem:s12], [sflag:$0x1] =	stream.linear.gather [hbm4b:s4+s3], $0x4000, $0x38;
	[tilespmem:$0x1A400] =	vst v63  }
0x14: {  	_ =	swait.ge [sflag:s11], $0x4000  }
0x15: {  	[sflag:s11] =	ssyncset.done $0x0  }
0x16: {  	[sflag:s11] =	ssyncadd.s32 $0xFFFFC000  }
0x17: {  	[tilespmem:s13], [sflag:$0x1] =	stream.linear.gather [hbm4b:s7+s3], $0x2780, $0x38;
	[tilespmem:$0x1A400] =	vst v63  }
0x18: {  	_ =	swait.ge [sflag:s11], $0x2780  }
0x19: {  	[sflag:s11] =	ssyncset.done $0x0  }
0x1a: {  	[sflag:s11] =	ssyncadd.s32 $0xFFFFD880  }
0x1b: {  	s16 =	simm.s32 $0x13C00;
	[bflag:$0x0] =	sbarrier.arrive $0xFFFF  }
0x1c: {  	[spmem:s2] =	stream.indirect.scatter.add.f32 [tilespmem:s12], [sflag:$0x1], $0x80, s16, s14, $0xb8;
	[tilespmem:$0x1A400] =	vst v63  }
0x1d: {  	s16 =	simm.s32 $0x200;
	_ =	swait.ge [sflag:s11], $0x4000  }
.LBB2_2:
0x1e: {  	s17 =	sshra.s32 s16, $0x2;
	[sflag:s11] =	ssyncset.done $0x0;
	p0 =	sne.s32 s16, $0x9C00  }
.Ltmp0:
0x1f: {  	s17 =	sadd.s32 $0x13C00, s17;
	[sflag:s11] =	ssyncadd.s32 $0xFFFFC000;
	(pc) =	sbr.rel @p0 .LBB2_2-.Ltmp0, $3  }
0x20: {  	[spmem:s2] =	stream.indirect.scatter.add.f32 [tilespmem:s12], [sflag:$0x1], $0x80, s17, s14, $0xb8;
	[tilespmem:$0x1A400] =	vst v63  }
0x21: {  	s16 =	sadd.s32 $0x200, s16;
	_ =	sdelay $0x1  }
0x22: {  	_ =	swait.ge [sflag:s11], $0x4000  }
0x23: {  	[sflag:s11] =	ssyncset.done $0x0;
	s15 =	sadd.s32 $0x1, s15  }
0x24: {  	[sflag:s11] =	ssyncadd.s32 $0xFFFFC000;
	p0 =	sne.s32 s15, s9  }
.Ltmp1:
0x25: {  	[bflag:$0x0] =	sbarrier.arrive $0xFFFF;
	(pc) =	sbr.rel @p0 .LBB2_1-.Ltmp1, $4  }
0x26: {  	[hbm:s8], [sflag:s6] =	dma.local [spmem:s10], $0x2780  }
0x27: {  	_ =	swait.ge [sflag:s11], $0x2780  }
0x28: {  	[sflag:s11] =	ssyncset.done $0x0  }
0x29: {  	[sflag:s11] =	ssyncadd.s32 $0xFFFFD880  }
0x2a: {  	_ =	sfence.sel $0x180000  }
0x2b: {  	[bflag:$0x0] =	sbarrier.arrive $0xFFFF  }
0x2c: {  	p0 =	sne.s32 s0, $0x0;
	_ =	strace $0x90000047  }
0x2d: {  	s0 =	sadd.s32 @!p0 $0x100000, s1;
	[bflag:$0x2] =	sbarrier.arrive $0xFFFF  }
0x2e: {  	[sflag:s0] =	ssyncadd.tile.s32 @!p0 $0x1;
	_ =	shalt  }
.Lfunc_end2:
_tile_overlayer_lowered:
.L_overlay_start_2:
0x2f: {  	(tag) =	ssettag $0x2  }
0x30: {  	s0 =	rddreg [dreg:$0x0];
	s2 =	stileid.u32  }
0x31: {  	s1 =	rddreg [dreg:$0x1];
	p0 =	sne.s32 s2, $0x0  }
0x32: {  	s3 =	rddreg [dreg:$0x2];
	[bflag:$0x3] =	sbarrier.arrive $0xFFFF;
	s2 =	simm.s32 @!p0 $0x1C01  }
0x33: {  	[timem:s3], [sflag:s2] =	dma.local @!p0 [hbm:s0], s1  }
0x34: {  	s0 =	simm.s32 @!p0 $0x1  }
0x35: {  	_ =	swait.ge @!p0 [sflag:s0], s1  }
0x36: {  	s1 =	ssub.s32 @!p0 $0x0, s1;
	[sflag:s0] =	ssyncset.done @!p0 $0x0  }
0x37: {  	[sflag:s0] =	ssyncadd.s32 @!p0 s1  }
0x38: {  	[bflag:$0x3] =	sbarrier.arrive $0xFFFF  }
0x39: {  	_ =	shalt  }

// kernel: kernel.9.cloned.1.call-start
scs
__scs_entry_jumppad:
0x0: {  	(pc) =	sbr.rel $0x88, $3  }
0x1: {  	(tag) =	ssettag $0x0;
	lr =	simm.s32 $0x1  }
0x2: {  	[smem:$0x3F9D] =	sst lr;
	_ =	strace $0xD0000000  }
0x3: {  	_ = 	snop  }
0x4: {  	_ = 	snop  }
0x5: {  	_ = 	snop  }
0x6: {  	_ = 	snop  }
0x7: {  	_ = 	snop  }
__scs_overlays_trampoline_lowered:
0x8: {  	[smem:$0x3FAC] =	sst s0  }
0x9: {  	[smem:$0x3FAD] =	sst s1  }
0xa: {  	[smem:$0x3FAE] =	sst s2  }
0xb: {  	[smem:$0x3FAF] =	sst s3  }
0xc: {  	[smem:$0x3FB0] =	sst s4  }
0xd: {  	[smem:$0x3FB1] =	sst s5  }
0xe: {  	[smem:$0x3FB2] =	sst s6  }
0xf: {  	[smem:$0x3FB3] =	sst s7  }
0x10: {  	[smem:$0x3FB4] =	sst s8  }
0x11: {  	[smem:$0x3FB5] =	sst s9;
	s0 =	simm.s32 @!p0 $0x0  }
0x12: {  	s1 =	sld [smem:$0x3F9B];
	s0 =	simm.s32 @p0 $0x1  }
0x13: {  	[smem:$0x3FB6] =	sst s0;
	s0 =	simm.s32 @!p1 $0x0  }
0x14: {  	s2 =	sld [smem:$0x3F9A];
	s0 =	simm.s32 @p1 $0x1  }
0x15: {  	[smem:$0x3FB7] =	sst s0;
	s0 =	simm.s32 @!p2 $0x0  }
0x16: {  	s3 =	sld [smem:$0x3FDB];
	s0 =	simm.s32 @p2 $0x1  }
0x17: {  	s4 =	simm.s32 $0x1BF5;
	[smem:$0x3FB9] =	sst s0  }
0x18: {  	s0 =	sld [smem:$0x3F9C];
	_ =	swait.ge [sflag:s4], $0x0  }
0x19: {  	s7 =	sld [smem:$0x3F9D]  }
0x1a: {  	s8 =	sadd.s32 $0xFFFFE003, lr  }
0x1b: {  	s9 =	sadd.s32 $0xFFFFFEF7, lr;
	s5 =	simm.s32 $0xFFFFFFFF;
	p2 =	slt.u32 s8, $0xFFFFF086  }
0x1c: {  	p1 =	slt.u32 s9, $0xF7A;
	s5 =	simm.s32 @!p2 $0x0  }
0x1d: {  	s5 =	simm.s32 @p1 $0x1;
	p0 =	seq.s32 s7, s2  }
0x1e: {  	s7 =	smul.u32 @!p0 $0xF7A, s2;
	p2 =	seq.s32 @!p0 s5, $0x0  }
0x1f: {  	s9 =	smul.u32 $0xF7A, s1;
	s8 =	simm.s32 @!p0 $0x1BF5;
	p2 =	por !p2, p0  }
0x20: {  	[sflag:s8] =	ssyncset.s32 @!p0 $0xFFFFF086;
	s6 =	sadd.s32 @!p0 s3, s7;
	s7 =	simm.s32 @!p0 $0x108  }
0x21: {  	s3 =	sadd.s32 s3, s9;
	s6 =	sadd.s32 @!p0 $0x88, s6;
	s7 =	simm.s32 @p2 $0x1082  }
0x22: {  	[simem:s7], [sflag:s8] =	dma.local @!p0 [hbm:s6], $0xF7A  }
0x23: {  	s9 =	sor.u32 $0xD0000000, s2;
	s6 =	simm.s32 $0x108;
	_ =	swait.ge @!p0 [sflag:s8], $0x0  }
0x24: {  	s3 =	sadd.s32 $0x88, s3;
	s6 =	simm.s32 @!p1 $0x1082;
	[sflag:s4] =	ssyncset.s32 $0xFFFFF086  }
0x25: {  	[simem:s6], [sflag:s4] =	dma.local [hbm:s3], $0xF7A  }
0x26: {  	[smem:$0x3F9D] =	sst s1;
	(tag) =	ssettag s2;
	_ =	strace s9  }
0x27: {  	s1 =	sld [smem:$0x3FAD]  }
0x28: {  	s2 =	sld [smem:$0x3FAE]  }
0x29: {  	s4 =	sld [smem:$0x3FB0]  }
0x2a: {  	p0 =	seq.s32 s5, $0x0;
	s5 =	sld [smem:$0x3FB1]  }
0x2b: {  	s6 =	sld [smem:$0x3FB2]  }
0x2c: {  	s7 =	sld [smem:$0x3FB3]  }
0x2d: {  	s3 =	simm.s32 $0x108;
	s8 =	sld [smem:$0x3FB4]  }
0x2e: {  	s3 =	simm.s32 @!p0 $0x1082;
	s9 =	sld [smem:$0x3FB5]  }
0x2f: {  	lr =	sadd.s32 s0, s3;
	s0 =	sld [smem:$0x3FAC]  }
0x30: {  	s3 =	sld [smem:$0x3FAF]  }
0x31: {  	[smem:$0x3FB8] =	sst s10  }
0x32: {  	s10 =	sld [smem:$0x3FB6];
	_ =	sdelay $0x3  }
0x33: {  	p0 =	seq.s32 s10, $0x1;
	s10 =	sld [smem:$0x3FB8];
	_ =	sdelay $0x3  }
0x34: {  	[smem:$0x3FB8] =	sst s10  }
0x35: {  	s10 =	sld [smem:$0x3FB7];
	_ =	sdelay $0x3  }
0x36: {  	p1 =	seq.s32 s10, $0x1;
	s10 =	sld [smem:$0x3FB8];
	_ =	sdelay $0x3  }
0x37: {  	[smem:$0x3FB8] =	sst s10  }
0x38: {  	s10 =	sld [smem:$0x3FB9]  }
0x39: {  	_ = 	snop;
	(pc) =	sbr.ind lr, $3  }
0x3a: {  	_ = 	snop  }
0x3b: {  	_ = 	snop  }
0x3c: {  	p2 =	seq.s32 s10, $0x1;
	s10 =	sld [smem:$0x3FB8]  }
0x3d: {  	_ =	shalt  }
0x3e: {  	_ =	shalt  }
0x3f: {  	_ =	shalt  }
0x40: {  	_ =	shalt  }
0x41: {  	_ =	shalt  }
0x42: {  	_ =	shalt  }
0x43: {  	_ =	shalt  }
0x44: {  	_ =	shalt  }
0x45: {  	_ =	shalt  }
0x46: {  	_ =	shalt  }
0x47: {  	_ =	shalt  }
0x48: {  	_ =	shalt  }
0x49: {  	_ =	shalt  }
0x4a: {  	_ =	shalt  }
0x4b: {  	_ =	shalt  }
0x4c: {  	_ =	shalt  }
0x4d: {  	_ =	shalt  }
0x4e: {  	_ =	shalt  }
0x4f: {  	_ =	shalt  }
0x50: {  	_ =	shalt  }
0x51: {  	_ =	shalt  }
0x52: {  	_ =	shalt  }
0x53: {  	_ =	shalt  }
0x54: {  	_ =	shalt  }
0x55: {  	_ =	shalt  }
0x56: {  	_ =	shalt  }
0x57: {  	_ =	shalt  }
0x58: {  	_ =	shalt  }
0x59: {  	_ =	shalt  }
0x5a: {  	_ =	shalt  }
0x5b: {  	_ =	shalt  }
0x5c: {  	_ =	shalt  }
0x5d: {  	_ =	shalt  }
0x5e: {  	_ =	shalt  }
0x5f: {  	_ =	shalt  }
0x60: {  	_ =	shalt  }
0x61: {  	_ =	shalt  }
0x62: {  	_ =	shalt  }
0x63: {  	_ =	shalt  }
0x64: {  	_ =	shalt  }
0x65: {  	_ =	shalt  }
0x66: {  	_ =	shalt  }
0x67: {  	_ =	shalt  }
0x68: {  	_ =	shalt  }
0x69: {  	_ =	shalt  }
0x6a: {  	_ =	shalt  }
0x6b: {  	_ =	shalt  }
0x6c: {  	_ =	shalt  }
0x6d: {  	_ =	shalt  }
0x6e: {  	_ =	shalt  }
0x6f: {  	_ =	shalt  }
0x70: {  	_ =	shalt  }
0x71: {  	_ =	shalt  }
0x72: {  	_ =	shalt  }
0x73: {  	_ =	shalt  }
0x74: {  	_ =	shalt  }
0x75: {  	_ =	shalt  }
0x76: {  	_ =	shalt  }
0x77: {  	_ =	shalt  }
0x78: {  	_ =	shalt  }
0x79: {  	_ =	shalt  }
0x7a: {  	_ =	shalt  }
0x7b: {  	_ =	shalt  }
0x7c: {  	_ =	shalt  }
0x7d: {  	_ =	shalt  }
0x7e: {  	_ =	shalt  }
0x7f: {  	_ =	shalt  }
0x80: {  	_ =	shalt  }
0x81: {  	_ =	shalt  }
0x82: {  	_ =	shalt  }
0x83: {  	_ =	shalt  }
0x84: {  	_ =	shalt  }
0x85: {  	_ =	shalt  }
0x86: {  	_ =	shalt  }
0x87: {  	_ =	shalt  }
.Lfunc_end0:
.L_simem_size_0:
called_computation.1_lowered:
.L_overlay_start_0:
0x88: {  	s2 =	sld [smem:$0x3FD9]  }
0x89: {  	s3 =	sld [smem:$0x3FFE];
	_ =	sdelay $0x1  }
0x8a: {  	s1 =	srdreg.scid  }
0x8b: {  	s0 =	sand.u32 $0x1, s1  }
0x8c: {  	s17 =	sshll.u32 s0, $0xA;
	s2 =	sadd.s32 s3, s2  }
0x8d: {  	s2 =	sadd.s32 s2, s17  }
0x8e: {  	[smem:$0x3FC4] =	sst s2  }
0x8f: {  	_ = 	snop  }
0x90: {  	s2 =	sld [smem:$0x3FD0];
	(tm) =	ssettm $0x1  }
0x91: {  	s18 =	sld [smem:$0x3FFB];
	_ =	sdelay $0x3  }
0x92: {  	_ =	strace s18  }
0x93: {  	s3 =	sld [smem:$0x3FFC];
	_ =	sdelay $0x3  }
0x94: {  	_ =	strace s3  }
0x95: {  	s3 =	sld [smem:$0x3FFD];
	_ =	sdelay $0x3  }
0x96: {  	_ =	strace s3  }
0x97: {  	_ =	strace $0x8FFFFFFF  }
0x98: {  	s19 =	sld [smem:$0x3FDB];
	_ =	sdelay $0x1  }
0x99: {  	s4 =	simm.s32 $_scs_section_size  }
0x9a: {  	s5 =	simm.s32 $_size__tile_overlayer_lowered;
	s6 =	simm.s32 $_tile_overlayer_lowered  }
0x9b: {  	s22 =	simm.s32 $0x1BFF;
	s21 =	sshll.u32 s6, $0x1;
	s3 =	sadd.s32 s4, s19  }
0x9c: {  	s7 =	simm.s32 $0x0;
	s20 =	sshll.u32 s5, $0x1;
	s5 =	sadd.s32 s21, s3  }
0x9d: {  	[timem:s7], [sflag:s22] =	dma.local [hbm:s5], s20  }
0x9e: {  	_ =	swait.ge [sflag:s22], s20  }
0x9f: {  	s4 =	ssub.s32 $0x0, s20;
	[sflag:s22] =	ssyncset.done $0x0  }
0xa0: {  	[sflag:s22] =	ssyncadd.s32 s4;
	_ =	sdelay $0x1  }
0xa1: {  	s23 =	simm.s32 $0x1B8B  }
0xa2: {  	_ =	swait.ge [sflag:s23], $0x1  }
0xa3: {  	[sflag:s23] =	ssyncset.done $0x0  }
0xa4: {  	s25 =	simm.s32 $0x1B8E;
	s24 =	sld [smem:$0x3FFE];
	[sflag:s23] =	ssyncadd.s32 $0xFFFFFFFF  }
0xa5: {  	s26 =	simm.s32 $execute0_lowered;
	[smem:$0x3FD2] =	sst s25  }
0xa6: {  	s5 =	sshll.u32 s26, $0x1;
	_ =	strace $0x80000049;
	[dreg:$0x1] =	wrdreg $0xFFFFFFFF  }
0xa7: {  	s28 =	simm.s32 $_size_execute0_lowered;
	s3 =	sadd.s32 s3, s5;
	[dreg:$0x0] =	wrdreg $0x0  }
0xa8: {  	s5 =	sshll.u32 s28, $0x1;
	[dreg:$0x2] =	wrdreg s3  }
0xa9: {  	[dreg:$0x3] =	wrdreg s5  }
0xaa: {  	[dreg:$0x4] =	wrdreg $0xC0  }
0xab: {  	_ =	task [dreg:s7], $0x5FFFF  }
0xac: {  	[dreg:$0x1] =	wrdreg $0xFFFFFFFF  }
0xad: {  	[dreg:$0x0] =	wrdreg $0x60  }
0xae: {  	[dreg:$0x2] =	wrdreg s24  }
0xaf: {  	[dreg:$0x3] =	wrdreg s2  }
0xb0: {  	[dreg:$0x4] =	wrdreg $0x0  }
0xb1: {  	[dreg:$0x5] =	wrdreg $0x9  }
0xb2: {  	_ =	task.clear_ibuf [dreg:s7], $0x6FFFF;
	_ =	strace $0x90000049  }
0xb3: {  	s29 =	simm.s32 $0x9;
	_ =	strace $0x8000004B  }
0xb4: {  	_ =	swait.ge [sflag:s29], $0x1  }
0xb5: {  	[sflag:s29] =	ssyncadd.s32 $0xFFFFFFFF  }
0xb6: {  	_ =	strace $0x9000004B  }
0xb7: {  	_ =	sfence  }
0xb8: {  	s30 =	sld [smem:$0x0];
	_ =	sdelay $0x2  }
0xb9: {  	s31 =	sshll.u32 s1, $0xD;
	s1 =	sshrl.u32 s1, $0x2  }
0xba: {  	s3 =	sand.u32 $0x4000, s31;
	s1 =	sadd.s32 s1, s30  }
0xbb: {  	s0 =	sor.u32 s3, s0;
	s1 =	sshll.u32 s1, $0x11  }
0xbc: {  	s0 =	sor.u32 s1, s0  }
0xbd: {  	s0 =	sadd.s32 $0x8F2B, s0  }
0xbe: {  	[sflag:s0] =	ssyncadd.remote.s32 $0x1  }
0xbf: {  	_ =	sfence.sel $0xFFFF  }
0xc0: {  	[dreg:$0x0] =	wrdreg $0xFFFFFFFF;
	(pc) =	sbr.abs _section_cstart, $3  }
0xc1: {  	[dreg:$0x1] =	wrdreg $0xFFFFFFFF  }
0xc2: {  	_ =	task.clear_ibuf [dreg:s7], $0x2FFFF;
	_ =	strace $0x9FFFFFFF  }
0xc3: {  	(tm) =	ssettm $0x7FFFFFFF  }
tec
execute0_lowered:
.L_overlay_start_1:
0x0: {  	(tag) =	ssettag $0x1  }
0x1: {  	s5 =	rddreg [dreg:$0x0]  }
0x2: {  	s10 =	rddreg [dreg:$0x1]  }
0x3: {  	s2 =	rddreg [dreg:$0x2]  }
0x4: {  	s1 =	stileid.u32;
	s3 =	simm.s32 $0x0;
	s4 =	srdreg.scid  }
0x5: {  	s16 =	simm.s32 $0x40;
	s17 =	simm.s32 $0x16400;
	s18 =	simm.s32 $0x13C40  }
0x6: {  	s19 =	simm.s32 $0x18400;
	s20 =	simm.s32 $0x1;
	s21 =	simm.s32 $0x80  }
0x7: {  	s22 =	simm.s32 $0x16380;
	s23 =	simm.s32 $0x1A400;
	s24 =	simm.s32 $0x16300  }
0x8: {  	s25 =	simm.s32 $0x0;
	s6 =	smul.u32 $0x13C00, s1;
	[smem:$0x7FF] =	sst s3  }
0x9: {  	s7 =	sand.u32 $0x1, s4;
	s11 =	sadd.s32 $0x77C00, s5;
	s4 =	sadd.s32 $0x28C00, s5  }
0xa: {  	s26 =	smul.u32 $0x4F000, s1;
	s12 =	sshll.u32 s1, $0x1;
	s30 =	sshll.u32 s1, $0x6  }
0xb: {  	_ =	strace $0x8000004A;
	s9 =	smul.u32 $0x13C000, s7;
	s13 =	ssub.s32 $0x2, s7  }
0xc: {  	s7 =	sor.u32 s7, s12;
	s8 =	sshrl.u32 s6, $0x3;
	s28 =	sshrl.u32 s13, $0x1  }
0xd: {  	s7 =	smul.u32 $0x2800, s7;
	s8 =	sadd.s32 s8, s5;
	s6 =	sadd.s32 s6, s9  }
0xe: {  	s9 =	sshrl.u32 s26, $0x2;
	s12 =	ssub.s32 s13, s28;
	s6 =	sshrl.u32 s6, $0x3  }
0xf: {  	s29 =	sadd.s32 s9, s2;
	s31 =	sshrl.u32 s7, $0x3;
	s12 =	smax.u32 s12, $0x1  }
0x10: {  	s14 =	sadd.s32 s6, s5;
	s5 =	sadd.s32 $0x1400, s8;
	s6 =	sor.u32 $0x1C02, s30  }
0x11: {  	s7 =	sadd.s32 s11, s31;
	s15 =	sadd.s32 $0x280, s31;
	s8 =	sadd.s32 s10, s31  }
0x12: {  	s13 =	sshrl.u32 s29, $0x3;
	s9 =	sadd.s32 s11, s15;
	s10 =	sadd.s32 s10, s15  }
0x13: {  	s11 =	sadd.s32 $0x81C00, s14;
	s14 =	simm.s32 $0x2;
	s15 =	simm.s32 $0x13C00  }
.LBB2_1:
0x14: {  	[spmem:s13], [sflag:s6] =	dma.local [hbm:s5], $0x2780  }
0x15: {  	_ =	swait.ge [sflag:s14], $0x2780  }
0x16: {  	[sflag:s14] =	ssyncset.done $0x0  }
0x17: {  	[sflag:s14] =	ssyncadd.s32 $0xFFFFD880  }
0x18: {  	[bflag:$0x0] =	sbarrier.arrive $0xFFFF  }
0x19: {  	[tilespmem:s15], [sflag:$0x2] =	stream.linear.gather [hbm4b:s7+s3], $0x1400, $0x38;
	[tilespmem:$0x1E400] =	vst v63  }
0x1a: {  	_ =	swait.ge [sflag:s14], $0x1400  }
0x1b: {  	[sflag:s14] =	ssyncset.done $0x0  }
0x1c: {  	s26 =	simm.s32 $0x15000;
	[sflag:s14] =	ssyncadd.s32 $0xFFFFEC00  }
0x1d: {  	[tilespmem:s26], [sflag:$0x2] =	stream.linear.gather [hbm4b:s8+s3], $0x1400, $0x38;
	[tilespmem:$0x1E400] =	vst v63  }
0x1e: {  	_ =	swait.ge [sflag:s14], $0x1400  }
0x1f: {  	[sflag:s14] =	ssyncset.done $0x0  }
0x20: {  	[sflag:s14] =	ssyncadd.s32 $0xFFFFEC00  }
0x21: {  	[tilespmem:s17], [sflag:$0x1] =	stream.indirect.gather [hbm4b:s4+s16], $0x80, s15, s16, $0xb8;
	[tilespmem:$0x1E400] =	vst v63  }
0x22: {  	_ = 	snop  }
0x23: {  	[tilespmem:s19], [sflag:$0x1] =	stream.indirect.gather [hbm4b:s4+s16], $0x80, s18, s16, $0xb8;
	[tilespmem:$0x1E400] =	vst v63  }
0x24: {  	_ =	swait.ge [sflag:s20], $0x2000  }
0x25: {  	[sflag:s20] =	ssyncset.done $0x0  }
0x26: {  	[sflag:s20] =	ssyncadd.s32 $0xFFFFE000  }
0x27: {  	s28 =	simm.s32 $0x0;
	_ =	swait.ge [sflag:s20], $0x2000  }
0x28: {  	s29 =	sand.u32 $0x4000, s28;
	[sflag:s20] =	ssyncset.done $0x0  }
0x29: {  	s28 =	simm.s32 $0x13C80;
	s30 =	ssub.s32 $0x1A400, s29;
	[sflag:s20] =	ssyncadd.s32 $0xFFFFE000  }
0x2a: {  	[tilespmem:s30], [sflag:$0x1] =	stream.indirect.gather [hbm4b:s4+s16], $0x80, s28, s16, $0xb8;
	[tilespmem:$0x1E400] =	vst v63  }
0x2b: {  	s31 =	simm.s32 $0x13CC0;
	s0 =	sxor.u32 $0x1C400, s29  }
0x2c: {  	[tilespmem:s0], [sflag:$0x1] =	stream.indirect.gather [hbm4b:s4+s16], $0x80, s31, s16, $0xb8;
	[tilespmem:$0x1E400] =	vst v63  }
0x2d: {  	s29 =	sadd.s32 $0x16400, s29  }
0x2e: {  	[spmem:s2] =	stream.indirect.scatter.add.f32 [tilespmem:s29], [sflag:$0x2], $0x80, s26, s21, $0xb8;
	[tilespmem:$0x1E400] =	vst v63  }
0x2f: {  	_ =	swait.ge [sflag:s14], $0x4000  }
0x30: {  	s29 =	simm.s32 $0x1;
	[sflag:s14] =	ssyncset.done $0x0  }
.LBB2_2:
0x31: {  	[sflag:s14] =	ssyncadd.s32 $0xFFFFC000;
	s26 =	sadd.s32 $0x80, s26;
	s28 =	sadd.s32 $0x80, s28  }
0x32: {  	p0 =	sne.s32 s29, $0x26;
	s30 =	smov.u32 s29;
	s29 =	sadd.s32 $0x1, s29  }
0x33: {  	_ =	swait.ge [sflag:s20], $0x2000  }
0x34: {  	[sflag:s20] =	ssyncset.done $0x0  }
0x35: {  	[sflag:s20] =	ssyncadd.s32 $0xFFFFE000  }
0x36: {  	s30 =	sshll.u32 s30, $0xE;
	_ =	swait.ge [sflag:s20], $0x2000  }
0x37: {  	s30 =	sand.u32 $0x4000, s30;
	[sflag:s20] =	ssyncset.done $0x0  }
0x38: {  	s31 =	ssub.s32 $0x1A400, s30;
	[sflag:s20] =	ssyncadd.s32 $0xFFFFE000  }
0x39: {  	[tilespmem:s31], [sflag:$0x1] =	stream.indirect.gather [hbm4b:s4+s16], $0x80, s28, s16, $0xb8;
	[tilespmem:$0x1E400] =	vst v63  }
0x3a: {  	s0 =	sadd.s32 $0x40, s28;
	s31 =	sxor.u32 $0x1C400, s30  }
0x3b: {  	[tilespmem:s31], [sflag:$0x1] =	stream.indirect.gather [hbm4b:s4+s16], $0x80, s0, s16, $0xb8;
	[tilespmem:$0x1E400] =	vst v63  }
.Ltmp0:
0x3c: {  	_ = 	snop;
	(pc) =	sbr.rel @p0 .LBB2_2-.Ltmp0, $4  }
0x3d: {  	s0 =	sadd.s32 $0x16400, s30  }
0x3e: {  	[spmem:s2] =	stream.indirect.scatter.add.f32 [tilespmem:s0], [sflag:$0x2], $0x80, s26, s21, $0xb8;
	[tilespmem:$0x1E400] =	vst v63  }
0x3f: {  	_ =	swait.ge [sflag:s14], $0x4000  }
0x40: {  	[sflag:s14] =	ssyncset.done $0x0  }
0x41: {  	[sflag:s14] =	ssyncadd.s32 $0xFFFFC000  }
0x42: {  	_ =	swait.ge [sflag:s20], $0x2000  }
0x43: {  	[sflag:s20] =	ssyncset.done $0x0  }
0x44: {  	[sflag:s20] =	ssyncadd.s32 $0xFFFFE000  }
0x45: {  	_ =	swait.ge [sflag:s20], $0x2000  }
0x46: {  	[sflag:s20] =	ssyncset.done $0x0  }
0x47: {  	[sflag:s20] =	ssyncadd.s32 $0xFFFFE000  }
0x48: {  	[spmem:s2] =	stream.indirect.scatter.add.f32 [tilespmem:s23], [sflag:$0x2], $0x80, s22, s21, $0xb8;
	[tilespmem:$0x1E400] =	vst v63  }
0x49: {  	_ =	swait.ge [sflag:s14], $0x4000  }
0x4a: {  	[sflag:s14] =	ssyncset.done $0x0  }
0x4b: {  	s0 =	simm.s32 $0x0;
	[sflag:s14] =	ssyncadd.s32 $0xFFFFC000  }
0x4c: {  	[tilespmem:s15], [sflag:$0x2] =	stream.linear.gather [hbm4b:s9+s0], $0x1380, $0x38;
	[tilespmem:$0x1E400] =	vst v63  }
0x4d: {  	_ =	swait.ge [sflag:s14], $0x1380  }
0x4e: {  	[sflag:s14] =	ssyncset.done $0x0  }
0x4f: {  	s26 =	simm.s32 $0x15000;
	[sflag:s14] =	ssyncadd.s32 $0xFFFFEC80  }
0x50: {  	[tilespmem:s26], [sflag:$0x2] =	stream.linear.gather [hbm4b:s10+s0], $0x1380, $0x38;
	[tilespmem:$0x1E400] =	vst v63  }
0x51: {  	_ =	swait.ge [sflag:s14], $0x1380  }
0x52: {  	[sflag:s14] =	ssyncset.done $0x0  }
0x53: {  	[sflag:s14] =	ssyncadd.s32 $0xFFFFEC80  }
0x54: {  	[tilespmem:s17], [sflag:$0x1] =	stream.indirect.gather [hbm4b:s4+s16], $0x80, s15, s16, $0xb8;
	[tilespmem:$0x1E400] =	vst v63  }
0x55: {  	_ = 	snop  }
0x56: {  	[tilespmem:s19], [sflag:$0x1] =	stream.indirect.gather [hbm4b:s4+s16], $0x80, s18, s16, $0xb8;
	[tilespmem:$0x1E400] =	vst v63  }
0x57: {  	_ =	swait.ge [sflag:s20], $0x2000  }
0x58: {  	[sflag:s20] =	ssyncset.done $0x0  }
0x59: {  	[sflag:s20] =	ssyncadd.s32 $0xFFFFE000  }
0x5a: {  	s31 =	simm.s32 $0x0;
	_ =	swait.ge [sflag:s20], $0x2000  }
0x5b: {  	s0 =	sand.u32 $0x4000, s31;
	[sflag:s20] =	ssyncset.done $0x0  }
0x5c: {  	s28 =	simm.s32 $0x13C80;
	s29 =	ssub.s32 $0x1A400, s0;
	[sflag:s20] =	ssyncadd.s32 $0xFFFFE000  }
0x5d: {  	[tilespmem:s29], [sflag:$0x1] =	stream.indirect.gather [hbm4b:s4+s16], $0x80, s28, s16, $0xb8;
	[tilespmem:$0x1E400] =	vst v63  }
0x5e: {  	s30 =	simm.s32 $0x13CC0;
	s29 =	sxor.u32 $0x1C400, s0  }
0x5f: {  	[tilespmem:s29], [sflag:$0x1] =	stream.indirect.gather [hbm4b:s4+s16], $0x80, s30, s16, $0xb8;
	[tilespmem:$0x1E400] =	vst v63  }
0x60: {  	s0 =	sadd.s32 $0x16400, s0  }
0x61: {  	[spmem:s2] =	stream.indirect.scatter.add.f32 [tilespmem:s0], [sflag:$0x2], $0x80, s26, s21, $0xb8;
	[tilespmem:$0x1E400] =	vst v63  }
0x62: {  	_ =	swait.ge [sflag:s14], $0x4000  }
0x63: {  	s29 =	simm.s32 $0x1;
	[sflag:s14] =	ssyncset.done $0x0  }
.LBB2_4:
0x64: {  	[sflag:s14] =	ssyncadd.s32 $0xFFFFC000;
	s26 =	sadd.s32 $0x80, s26;
	s28 =	sadd.s32 $0x80, s28  }
0x65: {  	p0 =	sne.s32 s29, $0x25;
	s0 =	smov.u32 s29;
	s29 =	sadd.s32 $0x1, s29  }
0x66: {  	_ =	swait.ge [sflag:s20], $0x2000  }
0x67: {  	[sflag:s20] =	ssyncset.done $0x0  }
0x68: {  	[sflag:s20] =	ssyncadd.s32 $0xFFFFE000  }
0x69: {  	s0 =	sshll.u32 s0, $0xE;
	_ =	swait.ge [sflag:s20], $0x2000  }
0x6a: {  	s0 =	sand.u32 $0x4000, s0;
	[sflag:s20] =	ssyncset.done $0x0  }
0x6b: {  	s30 =	ssub.s32 $0x1A400, s0;
	[sflag:s20] =	ssyncadd.s32 $0xFFFFE000  }
0x6c: {  	[tilespmem:s30], [sflag:$0x1] =	stream.indirect.gather [hbm4b:s4+s16], $0x80, s28, s16, $0xb8;
	[tilespmem:$0x1E400] =	vst v63  }
0x6d: {  	s31 =	sadd.s32 $0x40, s28;
	s30 =	sxor.u32 $0x1C400, s0  }
0x6e: {  	[tilespmem:s30], [sflag:$0x1] =	stream.indirect.gather [hbm4b:s4+s16], $0x80, s31, s16, $0xb8;
	[tilespmem:$0x1E400] =	vst v63  }
.Ltmp1:
0x6f: {  	_ = 	snop;
	(pc) =	sbr.rel @p0 .LBB2_4-.Ltmp1, $4  }
0x70: {  	s0 =	sadd.s32 $0x16400, s0  }
0x71: {  	[spmem:s2] =	stream.indirect.scatter.add.f32 [tilespmem:s0], [sflag:$0x2], $0x80, s26, s21, $0xb8;
	[tilespmem:$0x1E400] =	vst v63  }
0x72: {  	_ =	swait.ge [sflag:s14], $0x4000  }
0x73: {  	[sflag:s14] =	ssyncset.done $0x0  }
0x74: {  	[sflag:s14] =	ssyncadd.s32 $0xFFFFC000  }
0x75: {  	_ =	swait.ge [sflag:s20], $0x2000  }
0x76: {  	[sflag:s20] =	ssyncset.done $0x0  }
0x77: {  	[sflag:s20] =	ssyncadd.s32 $0xFFFFE000  }
0x78: {  	_ =	swait.ge [sflag:s20], $0x2000  }
0x79: {  	[sflag:s20] =	ssyncset.done $0x0  }
0x7a: {  	[sflag:s20] =	ssyncadd.s32 $0xFFFFE000  }
0x7b: {  	[spmem:s2] =	stream.indirect.scatter.add.f32 [tilespmem:s17], [sflag:$0x2], $0x80, s24, s21, $0xb8;
	[tilespmem:$0x1E400] =	vst v63  }
0x7c: {  	_ =	swait.ge [sflag:s14], $0x4000  }
0x7d: {  	s25 =	sadd.s32 $0x1, s25;
	[sflag:s14] =	ssyncset.done $0x0  }
0x7e: {  	p0 =	sne.s32 s25, s12;
	[sflag:s14] =	ssyncadd.s32 $0xFFFFC000  }
.Ltmp2:
0x7f: {  	[bflag:$0x0] =	sbarrier.arrive $0xFFFF;
	(pc) =	sbr.rel @p0 .LBB2_1-.Ltmp2, $4  }
0x80: {  	[hbm:s11], [sflag:s6] =	dma.local [spmem:s13], $0x2780  }
0x81: {  	_ =	swait.ge [sflag:s14], $0x2780  }
0x82: {  	[sflag:s14] =	ssyncset.done $0x0  }
0x83: {  	[sflag:s14] =	ssyncadd.s32 $0xFFFFD880  }
0x84: {  	_ =	sfence.sel $0x180000  }
0x85: {  	[bflag:$0x0] =	sbarrier.arrive $0xFFFF  }
0x86: {  	_ =	strace $0x9000004A  }
0x87: {  	[bflag:$0x2] =	sbarrier.arrive $0xFFFF  }
0x88: {  	p0 =	sne.s32 s1, $0x0;
	s0 =	rddreg [dreg:$0x3]  }
0x89: {  	s0 =	sadd.s32 @!p0 $0x100000, s0  }
0x8a: {  	[sflag:s0] =	ssyncadd.tile.s32 @!p0 $0x1;
	_ =	shalt  }
.Lfunc_end2:
_tile_overlayer_lowered:
.L_overlay_start_2:
0x8b: {  	(tag) =	ssettag $0x2  }
0x8c: {  	s0 =	rddreg [dreg:$0x0];
	s2 =	stileid.u32  }
0x8d: {  	s1 =	rddreg [dreg:$0x1];
	p0 =	sne.s32 s2, $0x0  }
0x8e: {  	s3 =	rddreg [dreg:$0x2];
	[bflag:$0x3] =	sbarrier.arrive $0xFFFF;
	s2 =	simm.s32 @!p0 $0x1C02  }
0x8f: {  	[timem:s3], [sflag:s2] =	dma.local @!p0 [hbm:s0], s1  }
0x90: {  	s0 =	simm.s32 @!p0 $0x2  }
0x91: {  	_ =	swait.ge @!p0 [sflag:s0], s1  }
0x92: {  	s1 =	ssub.s32 @!p0 $0x0, s1;
	[sflag:s0] =	ssyncset.done @!p0 $0x0  }
0x93: {  	[sflag:s0] =	ssyncadd.s32 @!p0 s1  }
0x94: {  	[bflag:$0x3] =	sbarrier.arrive $0xFFFF  }
0x95: {  	_ =	shalt  }

</sc_bundles>
